<compile_context>
chip_gen: v7x
topology: tpu7x:2x2x1
jax: 0.10.2.dev20260603
libtpu: 0.0.44.dev20260713+nightly
codegen_flags: <defaults>
</compile_context>

<pallas_src>
import functools

import jax
import jax.numpy as jnp
from jax import lax
from jax.experimental import pallas as pl
from jax.experimental.pallas import tpu as pltpu
from jax.experimental.pallas import tpu_sc as plsc

_N, _K, _D = 10000, 32, 128
_NW = 32
_NPW = 320
_NPAD = _NW * _NPW
_NC = 4
_CH = _NPW // _NC



_RPT = 632
_RLAST = _N - 15 * _RPT
_NPP = 160
_NCP = _NPP // _CH
_LASTW = _NW - 1


def _neighbor_sum_body(x_hbm, adjt_hbm, out_hbm, idx_t, acc_v, xs,
                       sem0, sem1):
    s = lax.axis_index("s")
    wid = s * 2 + lax.axis_index("c")

    @pl.when(s < 15)
    def _():
        pltpu.async_copy(
            x_hbm.at[pl.ds(s * _RPT, _RPT)], xs.at[pl.ds(s * _RPT, _RPT)],
            sem0)

    @pl.when(s == 15)
    def _():
        pltpu.async_copy(
            x_hbm.at[pl.ds(15 * _RPT, _RLAST)],
            xs.at[pl.ds(15 * _RPT, _RLAST)], sem0)

    pltpu.sync_copy(adjt_hbm.at[wid], idx_t)

    @pl.when(s < 15)
    def _():
        pltpu.make_async_copy(
            x_hbm.at[pl.ds(s * _RPT, _RPT)], xs.at[pl.ds(s * _RPT, _RPT)],
            sem0).wait()

    @pl.when(s == 15)
    def _():
        pltpu.make_async_copy(
            x_hbm.at[pl.ds(15 * _RPT, _RLAST)],
            xs.at[pl.ds(15 * _RPT, _RLAST)], sem0).wait()

    plsc.subcore_barrier()

    for p in range(_NPW // _NPP):
        for c in range(_NCP):
            pltpu.async_copy(
                xs.at[idx_t.at[0, p * _NCP + c]],
                acc_v.at[pl.ds(c * _CH, _CH)], sem0)
        for c in range(_NCP):
            pltpu.make_async_copy(
                xs.at[idx_t.at[0, p * _NCP + c]],
                acc_v.at[pl.ds(c * _CH, _CH)], sem0).wait()

        @pl.loop(1, _K)
        def _fire(k, _p=p):
            for c in range(_NCP):
                pltpu.async_copy(
                    xs.at[idx_t.at[k, _p * _NCP + c]],
                    acc_v.at[pl.ds(c * _CH, _CH)], sem1, add=True)

        @pl.loop(1, _K)
        def _drain(k, _p=p):
            for c in range(_NCP):
                pltpu.make_async_copy(
                    xs.at[idx_t.at[k, _p * _NCP + c]],
                    acc_v.at[pl.ds(c * _CH, _CH)], sem1).wait()

        if p == 0:
            @pl.when(wid < _LASTW)
            def _():
                pltpu.sync_copy(
                    acc_v, out_hbm.at[pl.ds(wid * _NPW, _NPP)])

            @pl.when(wid == _LASTW)
            def _():
                pltpu.sync_copy(
                    acc_v.at[pl.ds(0, _NPP // 2)],
                    out_hbm.at[pl.ds(_LASTW * _NPW, _NPP // 2)])
        else:
            @pl.when(wid < _LASTW)
            def _():
                pltpu.sync_copy(
                    acc_v,
                    out_hbm.at[pl.ds(wid * _NPW + _NPP, _NPP)])


def _make_neighbor_sum(interpret=False):
    mesh = plsc.VectorSubcoreMesh(
        core_axis_name="c", subcore_axis_name="s", num_cores=2,
        num_subcores=16)
    return functools.partial(
        pl.kernel,
        out_type=jax.ShapeDtypeStruct((_N, _D), jnp.float32),
        mesh=mesh,
        scratch_types=[
            pltpu.VMEM((_K, _NC, _CH), jnp.int32),
            pltpu.VMEM((_NPP, _D), jnp.float32),
            pltpu.VMEM_SHARED((_N, _D), jnp.float32),
            pltpu.SemaphoreType.DMA,
            pltpu.SemaphoreType.DMA,
        ],
        interpret=interpret,
    )(_neighbor_sum_body)


def _neighbor_sum(x, adjt):
    return _make_neighbor_sum()(x, adjt)


_BT = 10000


def _bn_scale(g, va):
    return g * jax.lax.rsqrt(va + 1e-3)


def _gelu(y):
    return 0.5 * y * (1.0 + lax.erf(y * 0.7071067811865476))


def _ffn_x_body(x_ref, g_ref, be_ref, mu_ref, va_ref, w_ref, b_ref, out_ref):
    s = _bn_scale(g_ref[...], va_ref[...])
    t = be_ref[...] - mu_ref[...] * s
    y1 = jnp.dot(x_ref[...] * s + t, w_ref[...],
                 preferred_element_type=jnp.float32) + b_ref[...]
    out_ref[0] = _gelu(y1)


def _ffn_agg_body(buf_ref, x_ref, agg_ref, g_ref, be_ref, mu_ref, va_ref,
                  w_ref, b_ref, out_ref):
    del buf_ref
    s = _bn_scale(g_ref[...], va_ref[...])
    t = be_ref[...] - mu_ref[...] * s
    y2 = jnp.dot((x_ref[...] + agg_ref[...]) * s + t, w_ref[...],
                 preferred_element_type=jnp.float32) + b_ref[...]
    out_ref[0] = _gelu(y2)


def _vec_spec():
    return pl.BlockSpec((1, _D), lambda i: (0, 0))


def _ffn_x(x, g, be, mu, va, w, b):
    return pl.pallas_call(
        _ffn_x_body,
        grid=(_N // _BT,),
        in_specs=[
            pl.BlockSpec((_BT, _D), lambda i: (i, 0)),
            _vec_spec(), _vec_spec(), _vec_spec(), _vec_spec(),
            pl.BlockSpec((_D, _D), lambda i: (0, 0)),
            _vec_spec(),
        ],
        out_specs=pl.BlockSpec((1, _BT, _D), lambda i: (0, i, 0)),
        out_shape=jax.ShapeDtypeStruct((2, _N, _D), jnp.float32),
    )(x, g.reshape(1, _D), be.reshape(1, _D), mu.reshape(1, _D),
      va.reshape(1, _D), w, b.reshape(1, _D))


def _ffn_agg(buf, x, agg, g, be, mu, va, w, b):
    return pl.pallas_call(
        _ffn_agg_body,
        grid=(_N // _BT,),
        in_specs=[
            pl.BlockSpec(memory_space=pl.ANY),
            pl.BlockSpec((_BT, _D), lambda i: (i, 0)),
            pl.BlockSpec((_BT, _D), lambda i: (i, 0)),
            _vec_spec(), _vec_spec(), _vec_spec(), _vec_spec(),
            pl.BlockSpec((_D, _D), lambda i: (0, 0)),
            _vec_spec(),
        ],
        out_specs=pl.BlockSpec((1, _BT, _D), lambda i: (1, i, 0)),
        out_shape=jax.ShapeDtypeStruct((2, _N, _D), jnp.float32),
        input_output_aliases={0: 0},
    )(buf, x, agg, g.reshape(1, _D), be.reshape(1, _D), mu.reshape(1, _D),
      va.reshape(1, _D), w, b.reshape(1, _D))


def kernel(input_data, adj, edge_weights, bn_gamma, bn_beta, bn_mean, bn_var,
           W, b):
    x = input_data[0]
    adj_pad = jnp.concatenate(
        [adj.astype(jnp.int32), jnp.zeros((_NPAD - _N, _K), jnp.int32)],
        axis=0)
    adjt = adj_pad.reshape(_NW, _NC, _CH, _K).transpose(0, 3, 1, 2)
    nsum = _neighbor_sum(x, adjt)
    buf = _ffn_x(x, bn_gamma, bn_beta, bn_mean, bn_var, W, b)
    out2 = _ffn_agg(buf, x, nsum, bn_gamma, bn_beta, bn_mean, bn_var, W, b)
    return out2.reshape(1, 2 * _N, _D)

# --- scband reference (transcript-rebuilt; emitter-appended) ---
"""Pipeline reference for scband-graph-conv-layer-54657753809400 (READ-ONLY COPY).

The authoritative reference and input builder live on the scoring server;
editing this copy changes nothing except your own understanding.
"""

import jax, jax.numpy as jnp
import numpy as np

N, K, D = 10000, 32, 128

def setup_inputs(seed: int = 0) -> dict:
    key = jax.random.key(seed)
    k1, k2, k3, k4 = jax.random.split(key, 4)
    input_data = jax.random.normal(k1, (1, N, D), dtype=jnp.float32)
    adj = jax.random.randint(k2, (N, K), 0, N)
    edge_weights = jax.random.uniform(k3, (N, K), dtype=jnp.float32)
    # update_fn ffn: one block of [BatchNorm, Dropout, Dense(128, gelu)] (inference mode)
    bn_gamma = jnp.ones((D,), dtype=jnp.float32)
    bn_beta = jnp.zeros((D,), dtype=jnp.float32)
    bn_mean = jnp.zeros((D,), dtype=jnp.float32)
    bn_var = jnp.ones((D,), dtype=jnp.float32)
    W = jax.random.normal(k4, (D, D), dtype=jnp.float32) * 0.05
    b = jnp.zeros((D,), dtype=jnp.float32)
    return {"input_data": input_data, "adj": adj, "edge_weights": edge_weights,
            "bn_gamma": bn_gamma, "bn_beta": bn_beta, "bn_mean": bn_mean,
            "bn_var": bn_var, "W": W, "b": b}

def reference(input_data, adj, edge_weights, bn_gamma, bn_beta, bn_mean, bn_var, W, b):
    # call(): input_data = tnp.array(input_data)[0]
    x = input_data[0]                       # [N, D]
    # neighbour_data = input_data[adj]  (dense neighbor-list gather)
    ngh = jnp.take(x, adj, axis=0)          # [N, K, D]
    # aggregate (aggregation_type == 'sum'): node_data + sum over neighbors
    agg = x + jnp.sum(ngh, axis=1)          # [N, D]
    # update (combination_type == 'concat'): concat along node axis, add leading dim
    h = jnp.concatenate([x, agg], axis=0)[None, :]   # [1, 2N, D]
    # ffn block (inference): BatchNorm(eps=1e-3) -> Dropout(identity) -> Dense + exact gelu
    h = (h - bn_mean) / jnp.sqrt(bn_var + 1e-3) * bn_gamma + bn_beta
    out = jax.nn.gelu(jnp.dot(h, W) + b, approximate=False)  # [1, 2N, D]
    # normalize=False -> no l2 normalize
    return out

if __name__ == "__main__":
    import jax
    _d = setup_inputs()
    print(jax.jit(kernel)(*tuple(_d.values())))

</pallas_src>

<mosaic_0001>
#map = affine_map<(d0, d1) -> (0, 0)>
#map1 = affine_map<(d0, d1) -> (0, 0, 0, 0)>
module attributes {stable_mosaic.version = 14 : i64} {
  func.func @_neighbor_sum_body(%arg0: i32, %arg1: i32, %arg2: memref<10000x128xf32, #tpu.memory_space<hbm>>, %arg3: memref<32x32x4x80xi32, #tpu.memory_space<hbm>>, %arg4: memref<10000x128xf32, #tpu.memory_space<hbm>>, %arg5: memref<32x4x80xi32, #tpu.memory_space<vmem>>, %arg6: memref<160x128xf32, #tpu.memory_space<vmem>>, %arg7: memref<10000x128xf32, #tpu.memory_space<vmem_shared>>, %arg8: memref<!tpu.dma_semaphore, #tpu.memory_space<semaphore_mem>>, %arg9: memref<!tpu.dma_semaphore, #tpu.memory_space<semaphore_mem>>) attributes {dimension_semantics = [#tpu.dimension_semantics<core_parallel>, #tpu.dimension_semantics<subcore_parallel>], iteration_bounds = array<i64: 2, 16>, scalar_prefetch = 0 : i64, scratch_operands = 5 : i64, tpu.core_type = #tpu.core_type<sc_vector_subcore>, window_params = [{transform_indices = #map}, {transform_indices = #map1}, {transform_indices = #map}]} {
    %mul3A = arith.constant 2 : i32
    %mul3A_0 = arith.muli %arg1, %mul3A : i32
    %add3A = arith.addi %mul3A_0, %arg0 : i32
    %lt3A = arith.constant 15 : i32
    %lt3A_1 = arith.cmpi slt, %arg1, %lt3A : i32
    %convert_element_type3A = arith.extui %lt3A_1 : i1 to i32
    %cond3A = arith.constant 0 : i32
    %cond3A_2 = arith.cmpi ne, %convert_element_type3A, %cond3A : i32
    scf.if %cond3A_2 {
      %mul3A_137 = arith.constant 632 : i32
      %mul3A_138 = arith.muli %arg1, %mul3A_137 : i32
      %mul3A_139 = arith.constant 632 : i32
      %mul3A_140 = arith.muli %arg1, %mul3A_139 : i32
      %dma_start3A_141 = arith.constant 0 : i32
      %dma_start3A_142 = tpu.memref_slice %arg7[%mul3A_140, %dma_start3A_141] : memref<10000x128xf32, #tpu.memory_space<vmem_shared>> -> memref<632x128xf32, #tpu.memory_space<vmem_shared>>
      %dma_start3A_143 = arith.constant 0 : i32
      %dma_start3A_144 = tpu.memref_slice %arg2[%mul3A_138, %dma_start3A_143] : memref<10000x128xf32, #tpu.memory_space<hbm>> -> memref<632x128xf32, #tpu.memory_space<hbm>>
      tpu.enqueue_dma source(%dma_start3A_144 : memref<632x128xf32, #tpu.memory_space<hbm>>) target(%dma_start3A_142 : memref<632x128xf32, #tpu.memory_space<vmem_shared>>) target_semaphore(%arg8 : memref<!tpu.dma_semaphore, #tpu.memory_space<semaphore_mem>>)
    } else {
    }
    %eq3A = arith.constant 15 : i32
    %eq3A_3 = arith.cmpi eq, %arg1, %eq3A : i32
    %convert_element_type3A_4 = arith.extui %eq3A_3 : i1 to i32
    %cond3A_5 = arith.constant 0 : i32
    %cond3A_6 = arith.cmpi ne, %convert_element_type3A_4, %cond3A_5 : i32
    scf.if %cond3A_6 {
      %dma_start3A_137 = arith.constant 9480 : i32
      %dma_start3A_138 = arith.constant 0 : i32
      %dma_start3A_139 = tpu.memref_slice %arg7[%dma_start3A_137, %dma_start3A_138] : memref<10000x128xf32, #tpu.memory_space<vmem_shared>> -> memref<520x128xf32, #tpu.memory_space<vmem_shared>>
      %dma_start3A_140 = arith.constant 9480 : i32
      %dma_start3A_141 = arith.constant 0 : i32
      %dma_start3A_142 = tpu.memref_slice %arg2[%dma_start3A_140, %dma_start3A_141] : memref<10000x128xf32, #tpu.memory_space<hbm>> -> memref<520x128xf32, #tpu.memory_space<hbm>>
      tpu.enqueue_dma source(%dma_start3A_142 : memref<520x128xf32, #tpu.memory_space<hbm>>) target(%dma_start3A_139 : memref<520x128xf32, #tpu.memory_space<vmem_shared>>) target_semaphore(%arg8 : memref<!tpu.dma_semaphore, #tpu.memory_space<semaphore_mem>>)
    } else {
    }
    "tpu.region"() ({
      %run_scoped3A = tpu.sem_alloc : memref<!tpu.dma_semaphore, #tpu.memory_space<semaphore_mem>>
      %dma_start3A_137 = arith.constant 0 : i32
      %dma_start3A_138 = arith.constant 0 : i32
      %dma_start3A_139 = arith.constant 0 : i32
      %dma_start3A_140 = tpu.memref_slice %arg3[%add3A, %dma_start3A_137, %dma_start3A_138, %dma_start3A_139] : memref<32x32x4x80xi32, #tpu.memory_space<hbm>> -> memref<1x32x4x80xi32, #tpu.memory_space<hbm>>
      %dma_start3A_141 = tpu.memref_squeeze %dma_start3A_140 : memref<1x32x4x80xi32, #tpu.memory_space<hbm>> -> memref<32x4x80xi32, #tpu.memory_space<hbm>>
      %dma_start3A_142 = arith.constant 0 : i32
      %dma_start3A_143 = arith.constant 0 : i32
      %dma_start3A_144 = arith.constant 0 : i32
      %dma_start3A_145 = tpu.memref_slice %arg3[%add3A, %dma_start3A_142, %dma_start3A_143, %dma_start3A_144] : memref<32x32x4x80xi32, #tpu.memory_space<hbm>> -> memref<1x32x4x80xi32, #tpu.memory_space<hbm>>
      %dma_start3A_146 = tpu.memref_squeeze %dma_start3A_145 : memref<1x32x4x80xi32, #tpu.memory_space<hbm>> -> memref<32x4x80xi32, #tpu.memory_space<hbm>>
      tpu.enqueue_dma source(%dma_start3A_146 : memref<32x4x80xi32, #tpu.memory_space<hbm>>) target(%arg5 : memref<32x4x80xi32, #tpu.memory_space<vmem>>) target_semaphore(%run_scoped3A : memref<!tpu.dma_semaphore, #tpu.memory_space<semaphore_mem>>)
      %dma_wait3A_147 = arith.constant 0 : i32
      %dma_wait3A_148 = arith.constant 0 : i32
      %dma_wait3A_149 = arith.constant 0 : i32
      %dma_wait3A_150 = tpu.memref_slice %arg3[%add3A, %dma_wait3A_147, %dma_wait3A_148, %dma_wait3A_149] : memref<32x32x4x80xi32, #tpu.memory_space<hbm>> -> memref<1x32x4x80xi32, #tpu.memory_space<hbm>>
      %dma_wait3A_151 = tpu.memref_squeeze %dma_wait3A_150 : memref<1x32x4x80xi32, #tpu.memory_space<hbm>> -> memref<32x4x80xi32, #tpu.memory_space<hbm>>
      %dma_wait3A_152 = arith.constant 0 : i32
      %dma_wait3A_153 = arith.constant 0 : i32
      %dma_wait3A_154 = arith.constant 0 : i32
      %dma_wait3A_155 = tpu.memref_slice %arg3[%add3A, %dma_wait3A_152, %dma_wait3A_153, %dma_wait3A_154] : memref<32x32x4x80xi32, #tpu.memory_space<hbm>> -> memref<1x32x4x80xi32, #tpu.memory_space<hbm>>
      %dma_wait3A_156 = tpu.memref_squeeze %dma_wait3A_155 : memref<1x32x4x80xi32, #tpu.memory_space<hbm>> -> memref<32x4x80xi32, #tpu.memory_space<hbm>>
      tpu.wait_dma2 semaphore(%run_scoped3A : memref<!tpu.dma_semaphore, #tpu.memory_space<semaphore_mem>>) src(%dma_wait3A_156 : memref<32x4x80xi32, #tpu.memory_space<hbm>>) dst(%arg5 : memref<32x4x80xi32, #tpu.memory_space<vmem>>)
      tpu.yield
    }) : () -> ()
    %lt3A_7 = arith.constant 15 : i32
    %lt3A_8 = arith.cmpi slt, %arg1, %lt3A_7 : i32
    %convert_element_type3A_9 = arith.extui %lt3A_8 : i1 to i32
    %cond3A_10 = arith.constant 0 : i32
    %cond3A_11 = arith.cmpi ne, %convert_element_type3A_9, %cond3A_10 : i32
    scf.if %cond3A_11 {
      %mul3A_137 = arith.constant 632 : i32
      %mul3A_138 = arith.muli %arg1, %mul3A_137 : i32
      %mul3A_139 = arith.constant 632 : i32
      %mul3A_140 = arith.muli %arg1, %mul3A_139 : i32
      %dma_wait3A_141 = arith.constant 0 : i32
      %dma_wait3A_142 = tpu.memref_slice %arg7[%mul3A_140, %dma_wait3A_141] : memref<10000x128xf32, #tpu.memory_space<vmem_shared>> -> memref<632x128xf32, #tpu.memory_space<vmem_shared>>
      %dma_wait3A_143 = arith.constant 0 : i32
      %dma_wait3A_144 = tpu.memref_slice %arg2[%mul3A_138, %dma_wait3A_143] : memref<10000x128xf32, #tpu.memory_space<hbm>> -> memref<632x128xf32, #tpu.memory_space<hbm>>
      tpu.wait_dma2 semaphore(%arg8 : memref<!tpu.dma_semaphore, #tpu.memory_space<semaphore_mem>>) src(%dma_wait3A_144 : memref<632x128xf32, #tpu.memory_space<hbm>>) dst(%dma_wait3A_142 : memref<632x128xf32, #tpu.memory_space<vmem_shared>>)
    } else {
    }
    %eq3A_12 = arith.constant 15 : i32
    %eq3A_13 = arith.cmpi eq, %arg1, %eq3A_12 : i32
    %convert_element_type3A_14 = arith.extui %eq3A_13 : i1 to i32
    %cond3A_15 = arith.constant 0 : i32
    %cond3A_16 = arith.cmpi ne, %convert_element_type3A_14, %cond3A_15 : i32
    scf.if %cond3A_16 {
      %dma_wait3A_137 = arith.constant 9480 : i32
      %dma_wait3A_138 = arith.constant 0 : i32
      %dma_wait3A_139 = tpu.memref_slice %arg7[%dma_wait3A_137, %dma_wait3A_138] : memref<10000x128xf32, #tpu.memory_space<vmem_shared>> -> memref<520x128xf32, #tpu.memory_space<vmem_shared>>
      %dma_wait3A_140 = arith.constant 9480 : i32
      %dma_wait3A_141 = arith.constant 0 : i32
      %dma_wait3A_142 = tpu.memref_slice %arg2[%dma_wait3A_140, %dma_wait3A_141] : memref<10000x128xf32, #tpu.memory_space<hbm>> -> memref<520x128xf32, #tpu.memory_space<hbm>>
      tpu.wait_dma2 semaphore(%arg8 : memref<!tpu.dma_semaphore, #tpu.memory_space<semaphore_mem>>) src(%dma_wait3A_142 : memref<520x128xf32, #tpu.memory_space<hbm>>) dst(%dma_wait3A_139 : memref<520x128xf32, #tpu.memory_space<vmem_shared>>)
    } else {
    }
    %barrier3A = arith.constant 0 : index
    tpu.barrier barrier_id(%barrier3A)
    %dma_start3A = arith.constant 0 : i32
    %dma_start3A_17 = arith.constant 0 : i32
    %dma_start3A_18 = arith.constant 0 : i32
    %dma_start3A_19 = arith.constant 0 : i32
    %dma_start3A_20 = tpu.memref_slice %arg6[%dma_start3A_18, %dma_start3A_19] : memref<160x128xf32, #tpu.memory_space<vmem>> -> memref<80x128xf32, #tpu.memory_space<vmem>>
    %dma_start3A_21 = arith.constant 0 : i32
    %dma_start3A_22 = tpu.memref_slice %arg5[%dma_start3A, %dma_start3A_17, %dma_start3A_21] : memref<32x4x80xi32, #tpu.memory_space<vmem>> -> memref<1x1x80xi32, #tpu.memory_space<vmem>>
    %dma_start3A_23 = tpu.memref_squeeze %dma_start3A_22 : memref<1x1x80xi32, #tpu.memory_space<vmem>> -> memref<80xi32, #tpu.memory_space<vmem>>
    %dma_start3A_24 = arith.constant 0 : i32
    %dma_start3A_25 = arith.constant 0 : i32
    %dma_start3A_26 = tpu.memref_slice %arg7[%dma_start3A_24, %dma_start3A_25] : memref<10000x128xf32, #tpu.memory_space<vmem_shared>> -> memref<10000x128xf32, #tpu.memory_space<vmem_shared>>
    tpu.enqueue_indirect_dma source(%dma_start3A_26 : memref<10000x128xf32, #tpu.memory_space<vmem_shared>>) target(%dma_start3A_20 : memref<80x128xf32, #tpu.memory_space<vmem>>) offsets(%dma_start3A_23 : memref<80xi32, #tpu.memory_space<vmem>>) semaphore(%arg8 : memref<!tpu.dma_semaphore, #tpu.memory_space<semaphore_mem>>)
    %dma_start3A_27 = arith.constant 0 : i32
    %dma_start3A_28 = arith.constant 1 : i32
    %dma_start3A_29 = arith.constant 80 : i32
    %dma_start3A_30 = arith.constant 0 : i32
    %dma_start3A_31 = tpu.memref_slice %arg6[%dma_start3A_29, %dma_start3A_30] : memref<160x128xf32, #tpu.memory_space<vmem>> -> memref<80x128xf32, #tpu.memory_space<vmem>>
    %dma_start3A_32 = arith.constant 0 : i32
    %dma_start3A_33 = tpu.memref_slice %arg5[%dma_start3A_27, %dma_start3A_28, %dma_start3A_32] : memref<32x4x80xi32, #tpu.memory_space<vmem>> -> memref<1x1x80xi32, #tpu.memory_space<vmem>>
    %dma_start3A_34 = tpu.memref_squeeze %dma_start3A_33 : memref<1x1x80xi32, #tpu.memory_space<vmem>> -> memref<80xi32, #tpu.memory_space<vmem>>
    %dma_start3A_35 = arith.constant 0 : i32
    %dma_start3A_36 = arith.constant 0 : i32
    %dma_start3A_37 = tpu.memref_slice %arg7[%dma_start3A_35, %dma_start3A_36] : memref<10000x128xf32, #tpu.memory_space<vmem_shared>> -> memref<10000x128xf32, #tpu.memory_space<vmem_shared>>
    tpu.enqueue_indirect_dma source(%dma_start3A_37 : memref<10000x128xf32, #tpu.memory_space<vmem_shared>>) target(%dma_start3A_31 : memref<80x128xf32, #tpu.memory_space<vmem>>) offsets(%dma_start3A_34 : memref<80xi32, #tpu.memory_space<vmem>>) semaphore(%arg8 : memref<!tpu.dma_semaphore, #tpu.memory_space<semaphore_mem>>)
    %dma_wait3A = arith.constant 0 : i32
    %dma_wait3A_38 = arith.constant 0 : i32
    %dma_wait3A_39 = arith.constant 0 : i32
    %dma_wait3A_40 = arith.constant 0 : i32
    %dma_wait3A_41 = tpu.memref_slice %arg6[%dma_wait3A_39, %dma_wait3A_40] : memref<160x128xf32, #tpu.memory_space<vmem>> -> memref<80x128xf32, #tpu.memory_space<vmem>>
    %dma_wait3A_42 = arith.constant 0 : i32
    %dma_wait3A_43 = tpu.memref_slice %arg5[%dma_wait3A, %dma_wait3A_38, %dma_wait3A_42] : memref<32x4x80xi32, #tpu.memory_space<vmem>> -> memref<1x1x80xi32, #tpu.memory_space<vmem>>
    %dma_wait3A_44 = tpu.memref_squeeze %dma_wait3A_43 : memref<1x1x80xi32, #tpu.memory_space<vmem>> -> memref<80xi32, #tpu.memory_space<vmem>>
    %dma_wait3A_45 = arith.constant 0 : i32
    %dma_wait3A_46 = arith.constant 0 : i32
    %dma_wait3A_47 = tpu.memref_slice %arg7[%dma_wait3A_45, %dma_wait3A_46] : memref<10000x128xf32, #tpu.memory_space<vmem_shared>> -> memref<10000x128xf32, #tpu.memory_space<vmem_shared>>
    tpu.wait_indirect_dma semaphore(%arg8 : memref<!tpu.dma_semaphore, #tpu.memory_space<semaphore_mem>>) src(%dma_wait3A_47 : memref<10000x128xf32, #tpu.memory_space<vmem_shared>>) dst(%dma_wait3A_41 : memref<80x128xf32, #tpu.memory_space<vmem>>)
    %dma_wait3A_48 = arith.constant 0 : i32
    %dma_wait3A_49 = arith.constant 1 : i32
    %dma_wait3A_50 = arith.constant 80 : i32
    %dma_wait3A_51 = arith.constant 0 : i32
    %dma_wait3A_52 = tpu.memref_slice %arg6[%dma_wait3A_50, %dma_wait3A_51] : memref<160x128xf32, #tpu.memory_space<vmem>> -> memref<80x128xf32, #tpu.memory_space<vmem>>
    %dma_wait3A_53 = arith.constant 0 : i32
    %dma_wait3A_54 = tpu.memref_slice %arg5[%dma_wait3A_48, %dma_wait3A_49, %dma_wait3A_53] : memref<32x4x80xi32, #tpu.memory_space<vmem>> -> memref<1x1x80xi32, #tpu.memory_space<vmem>>
    %dma_wait3A_55 = tpu.memref_squeeze %dma_wait3A_54 : memref<1x1x80xi32, #tpu.memory_space<vmem>> -> memref<80xi32, #tpu.memory_space<vmem>>
    %dma_wait3A_56 = arith.constant 0 : i32
    %dma_wait3A_57 = arith.constant 0 : i32
    %dma_wait3A_58 = tpu.memref_slice %arg7[%dma_wait3A_56, %dma_wait3A_57] : memref<10000x128xf32, #tpu.memory_space<vmem_shared>> -> memref<10000x128xf32, #tpu.memory_space<vmem_shared>>
    tpu.wait_indirect_dma semaphore(%arg8 : memref<!tpu.dma_semaphore, #tpu.memory_space<semaphore_mem>>) src(%dma_wait3A_58 : memref<10000x128xf32, #tpu.memory_space<vmem_shared>>) dst(%dma_wait3A_52 : memref<80x128xf32, #tpu.memory_space<vmem>>)
    %scan3A = arith.constant 0 : i32
    %scan3A_59 = arith.constant 31 : i32
    %scan3A_60 = arith.addi %scan3A, %scan3A_59 : i32
    %scan3A_61 = arith.constant 1 : i32
    scf.for %scan3A_137 = %scan3A to %scan3A_60 step %scan3A_61  : i32 {
      %mul3A_138 = arith.constant 1 : i32
      %mul3A_139 = arith.muli %scan3A_137, %mul3A_138 : i32
      %add3A_140 = arith.constant 1 : i32
      %add3A_141 = arith.addi %add3A_140, %mul3A_139 : i32
      %dma_start3A_142 = arith.constant 0 : i32
      %dma_start3A_143 = arith.constant 0 : i32
      %dma_start3A_144 = arith.constant 0 : i32
      %dma_start3A_145 = tpu.memref_slice %arg6[%dma_start3A_143, %dma_start3A_144] : memref<160x128xf32, #tpu.memory_space<vmem>> -> memref<80x128xf32, #tpu.memory_space<vmem>>
      %dma_start3A_146 = arith.constant 0 : i32
      %dma_start3A_147 = tpu.memref_slice %arg5[%add3A_141, %dma_start3A_142, %dma_start3A_146] : memref<32x4x80xi32, #tpu.memory_space<vmem>> -> memref<1x1x80xi32, #tpu.memory_space<vmem>>
      %dma_start3A_148 = tpu.memref_squeeze %dma_start3A_147 : memref<1x1x80xi32, #tpu.memory_space<vmem>> -> memref<80xi32, #tpu.memory_space<vmem>>
      %dma_start3A_149 = arith.constant 0 : i32
      %dma_start3A_150 = arith.constant 0 : i32
      %dma_start3A_151 = tpu.memref_slice %arg7[%dma_start3A_149, %dma_start3A_150] : memref<10000x128xf32, #tpu.memory_space<vmem_shared>> -> memref<10000x128xf32, #tpu.memory_space<vmem_shared>>
      tpu.enqueue_indirect_dma source(%dma_start3A_151 : memref<10000x128xf32, #tpu.memory_space<vmem_shared>>) target(%dma_start3A_145 : memref<80x128xf32, #tpu.memory_space<vmem>>) offsets(%dma_start3A_148 : memref<80xi32, #tpu.memory_space<vmem>>) semaphore(%arg9 : memref<!tpu.dma_semaphore, #tpu.memory_space<semaphore_mem>>) {add = true}
      %dma_start3A_152 = arith.constant 1 : i32
      %dma_start3A_153 = arith.constant 80 : i32
      %dma_start3A_154 = arith.constant 0 : i32
      %dma_start3A_155 = tpu.memref_slice %arg6[%dma_start3A_153, %dma_start3A_154] : memref<160x128xf32, #tpu.memory_space<vmem>> -> memref<80x128xf32, #tpu.memory_space<vmem>>
      %dma_start3A_156 = arith.constant 0 : i32
      %dma_start3A_157 = tpu.memref_slice %arg5[%add3A_141, %dma_start3A_152, %dma_start3A_156] : memref<32x4x80xi32, #tpu.memory_space<vmem>> -> memref<1x1x80xi32, #tpu.memory_space<vmem>>
      %dma_start3A_158 = tpu.memref_squeeze %dma_start3A_157 : memref<1x1x80xi32, #tpu.memory_space<vmem>> -> memref<80xi32, #tpu.memory_space<vmem>>
      %dma_start3A_159 = arith.constant 0 : i32
      %dma_start3A_160 = arith.constant 0 : i32
      %dma_start3A_161 = tpu.memref_slice %arg7[%dma_start3A_159, %dma_start3A_160] : memref<10000x128xf32, #tpu.memory_space<vmem_shared>> -> memref<10000x128xf32, #tpu.memory_space<vmem_shared>>
      tpu.enqueue_indirect_dma source(%dma_start3A_161 : memref<10000x128xf32, #tpu.memory_space<vmem_shared>>) target(%dma_start3A_155 : memref<80x128xf32, #tpu.memory_space<vmem>>) offsets(%dma_start3A_158 : memref<80xi32, #tpu.memory_space<vmem>>) semaphore(%arg9 : memref<!tpu.dma_semaphore, #tpu.memory_space<semaphore_mem>>) {add = true}
    }
    %scan3A_62 = arith.constant 31 : i32
    %scan3A_63 = arith.constant 0 : i32
    %scan3A_64 = arith.constant 31 : i32
    %scan3A_65 = arith.addi %scan3A_63, %scan3A_64 : i32
    %scan3A_66 = arith.constant 1 : i32
    scf.for %scan3A_137 = %scan3A_63 to %scan3A_65 step %scan3A_66  : i32 {
      %mul3A_138 = arith.constant 1 : i32
      %mul3A_139 = arith.muli %scan3A_137, %mul3A_138 : i32
      %add3A_140 = arith.constant 1 : i32
      %add3A_141 = arith.addi %add3A_140, %mul3A_139 : i32
      %dma_wait3A_142 = arith.constant 0 : i32
      %dma_wait3A_143 = arith.constant 0 : i32
      %dma_wait3A_144 = arith.constant 0 : i32
      %dma_wait3A_145 = tpu.memref_slice %arg6[%dma_wait3A_143, %dma_wait3A_144] : memref<160x128xf32, #tpu.memory_space<vmem>> -> memref<80x128xf32, #tpu.memory_space<vmem>>
      %dma_wait3A_146 = arith.constant 0 : i32
      %dma_wait3A_147 = tpu.memref_slice %arg5[%add3A_141, %dma_wait3A_142, %dma_wait3A_146] : memref<32x4x80xi32, #tpu.memory_space<vmem>> -> memref<1x1x80xi32, #tpu.memory_space<vmem>>
      %dma_wait3A_148 = tpu.memref_squeeze %dma_wait3A_147 : memref<1x1x80xi32, #tpu.memory_space<vmem>> -> memref<80xi32, #tpu.memory_space<vmem>>
      %dma_wait3A_149 = arith.constant 0 : i32
      %dma_wait3A_150 = arith.constant 0 : i32
      %dma_wait3A_151 = tpu.memref_slice %arg7[%dma_wait3A_149, %dma_wait3A_150] : memref<10000x128xf32, #tpu.memory_space<vmem_shared>> -> memref<10000x128xf32, #tpu.memory_space<vmem_shared>>
      tpu.wait_indirect_dma semaphore(%arg9 : memref<!tpu.dma_semaphore, #tpu.memory_space<semaphore_mem>>) src(%dma_wait3A_151 : memref<10000x128xf32, #tpu.memory_space<vmem_shared>>) dst(%dma_wait3A_145 : memref<80x128xf32, #tpu.memory_space<vmem>>)
      %dma_wait3A_152 = arith.constant 1 : i32
      %dma_wait3A_153 = arith.constant 80 : i32
      %dma_wait3A_154 = arith.constant 0 : i32
      %dma_wait3A_155 = tpu.memref_slice %arg6[%dma_wait3A_153, %dma_wait3A_154] : memref<160x128xf32, #tpu.memory_space<vmem>> -> memref<80x128xf32, #tpu.memory_space<vmem>>
      %dma_wait3A_156 = arith.constant 0 : i32
      %dma_wait3A_157 = tpu.memref_slice %arg5[%add3A_141, %dma_wait3A_152, %dma_wait3A_156] : memref<32x4x80xi32, #tpu.memory_space<vmem>> -> memref<1x1x80xi32, #tpu.memory_space<vmem>>
      %dma_wait3A_158 = tpu.memref_squeeze %dma_wait3A_157 : memref<1x1x80xi32, #tpu.memory_space<vmem>> -> memref<80xi32, #tpu.memory_space<vmem>>
      %dma_wait3A_159 = arith.constant 0 : i32
      %dma_wait3A_160 = arith.constant 0 : i32
      %dma_wait3A_161 = tpu.memref_slice %arg7[%dma_wait3A_159, %dma_wait3A_160] : memref<10000x128xf32, #tpu.memory_space<vmem_shared>> -> memref<10000x128xf32, #tpu.memory_space<vmem_shared>>
      tpu.wait_indirect_dma semaphore(%arg9 : memref<!tpu.dma_semaphore, #tpu.memory_space<semaphore_mem>>) src(%dma_wait3A_161 : memref<10000x128xf32, #tpu.memory_space<vmem_shared>>) dst(%dma_wait3A_155 : memref<80x128xf32, #tpu.memory_space<vmem>>)
    }
    %scan3A_67 = arith.constant 31 : i32
    %lt3A_68 = arith.constant 31 : i32
    %lt3A_69 = arith.cmpi slt, %add3A, %lt3A_68 : i32
    %convert_element_type3A_70 = arith.extui %lt3A_69 : i1 to i32
    %cond3A_71 = arith.constant 0 : i32
    %cond3A_72 = arith.cmpi ne, %convert_element_type3A_70, %cond3A_71 : i32
    scf.if %cond3A_72 {
      %mul3A_137 = arith.constant 320 : i32
      %mul3A_138 = arith.muli %add3A, %mul3A_137 : i32
      "tpu.region"() ({
        %run_scoped3A = tpu.sem_alloc : memref<!tpu.dma_semaphore, #tpu.memory_space<semaphore_mem>>
        %dma_start3A_139 = arith.constant 0 : i32
        %dma_start3A_140 = tpu.memref_slice %arg4[%mul3A_138, %dma_start3A_139] : memref<10000x128xf32, #tpu.memory_space<hbm>> -> memref<160x128xf32, #tpu.memory_space<hbm>>
        %dma_start3A_141 = arith.constant 0 : i32
        %dma_start3A_142 = tpu.memref_slice %arg4[%mul3A_138, %dma_start3A_141] : memref<10000x128xf32, #tpu.memory_space<hbm>> -> memref<160x128xf32, #tpu.memory_space<hbm>>
        tpu.enqueue_dma source(%arg6 : memref<160x128xf32, #tpu.memory_space<vmem>>) target(%dma_start3A_142 : memref<160x128xf32, #tpu.memory_space<hbm>>) target_semaphore(%run_scoped3A : memref<!tpu.dma_semaphore, #tpu.memory_space<semaphore_mem>>)
        %dma_wait3A_143 = arith.constant 0 : i32
        %dma_wait3A_144 = tpu.memref_slice %arg4[%mul3A_138, %dma_wait3A_143] : memref<10000x128xf32, #tpu.memory_space<hbm>> -> memref<160x128xf32, #tpu.memory_space<hbm>>
        %dma_wait3A_145 = arith.constant 0 : i32
        %dma_wait3A_146 = tpu.memref_slice %arg4[%mul3A_138, %dma_wait3A_145] : memref<10000x128xf32, #tpu.memory_space<hbm>> -> memref<160x128xf32, #tpu.memory_space<hbm>>
        tpu.wait_dma2 semaphore(%run_scoped3A : memref<!tpu.dma_semaphore, #tpu.memory_space<semaphore_mem>>) src(%arg6 : memref<160x128xf32, #tpu.memory_space<vmem>>) dst(%dma_wait3A_146 : memref<160x128xf32, #tpu.memory_space<hbm>>)
        tpu.yield
      }) : () -> ()
    } else {
    }
    %eq3A_73 = arith.constant 31 : i32
    %eq3A_74 = arith.cmpi eq, %add3A, %eq3A_73 : i32
    %convert_element_type3A_75 = arith.extui %eq3A_74 : i1 to i32
    %cond3A_76 = arith.constant 0 : i32
    %cond3A_77 = arith.cmpi ne, %convert_element_type3A_75, %cond3A_76 : i32
    scf.if %cond3A_77 {
      "tpu.region"() ({
        %run_scoped3A = tpu.sem_alloc : memref<!tpu.dma_semaphore, #tpu.memory_space<semaphore_mem>>
        %dma_start3A_137 = arith.constant 0 : i32
        %dma_start3A_138 = arith.constant 0 : i32
        %dma_start3A_139 = tpu.memref_slice %arg6[%dma_start3A_137, %dma_start3A_138] : memref<160x128xf32, #tpu.memory_space<vmem>> -> memref<80x128xf32, #tpu.memory_space<vmem>>
        %dma_start3A_140 = arith.constant 9920 : i32
        %dma_start3A_141 = arith.constant 0 : i32
        %dma_start3A_142 = tpu.memref_slice %arg4[%dma_start3A_140, %dma_start3A_141] : memref<10000x128xf32, #tpu.memory_space<hbm>> -> memref<80x128xf32, #tpu.memory_space<hbm>>
        %dma_start3A_143 = arith.constant 9920 : i32
        %dma_start3A_144 = arith.constant 0 : i32
        %dma_start3A_145 = tpu.memref_slice %arg4[%dma_start3A_143, %dma_start3A_144] : memref<10000x128xf32, #tpu.memory_space<hbm>> -> memref<80x128xf32, #tpu.memory_space<hbm>>
        %dma_start3A_146 = arith.constant 0 : i32
        %dma_start3A_147 = arith.constant 0 : i32
        %dma_start3A_148 = tpu.memref_slice %arg6[%dma_start3A_146, %dma_start3A_147] : memref<160x128xf32, #tpu.memory_space<vmem>> -> memref<80x128xf32, #tpu.memory_space<vmem>>
        tpu.enqueue_dma source(%dma_start3A_148 : memref<80x128xf32, #tpu.memory_space<vmem>>) target(%dma_start3A_145 : memref<80x128xf32, #tpu.memory_space<hbm>>) target_semaphore(%run_scoped3A : memref<!tpu.dma_semaphore, #tpu.memory_space<semaphore_mem>>)
        %dma_wait3A_149 = arith.constant 0 : i32
        %dma_wait3A_150 = arith.constant 0 : i32
        %dma_wait3A_151 = tpu.memref_slice %arg6[%dma_wait3A_149, %dma_wait3A_150] : memref<160x128xf32, #tpu.memory_space<vmem>> -> memref<80x128xf32, #tpu.memory_space<vmem>>
        %dma_wait3A_152 = arith.constant 9920 : i32
        %dma_wait3A_153 = arith.constant 0 : i32
        %dma_wait3A_154 = tpu.memref_slice %arg4[%dma_wait3A_152, %dma_wait3A_153] : memref<10000x128xf32, #tpu.memory_space<hbm>> -> memref<80x128xf32, #tpu.memory_space<hbm>>
        %dma_wait3A_155 = arith.constant 9920 : i32
        %dma_wait3A_156 = arith.constant 0 : i32
        %dma_wait3A_157 = tpu.memref_slice %arg4[%dma_wait3A_155, %dma_wait3A_156] : memref<10000x128xf32, #tpu.memory_space<hbm>> -> memref<80x128xf32, #tpu.memory_space<hbm>>
        %dma_wait3A_158 = arith.constant 0 : i32
        %dma_wait3A_159 = arith.constant 0 : i32
        %dma_wait3A_160 = tpu.memref_slice %arg6[%dma_wait3A_158, %dma_wait3A_159] : memref<160x128xf32, #tpu.memory_space<vmem>> -> memref<80x128xf32, #tpu.memory_space<vmem>>
        tpu.wait_dma2 semaphore(%run_scoped3A : memref<!tpu.dma_semaphore, #tpu.memory_space<semaphore_mem>>) src(%dma_wait3A_160 : memref<80x128xf32, #tpu.memory_space<vmem>>) dst(%dma_wait3A_157 : memref<80x128xf32, #tpu.memory_space<hbm>>)
        tpu.yield
      }) : () -> ()
    } else {
    }
    %dma_start3A_78 = arith.constant 0 : i32
    %dma_start3A_79 = arith.constant 2 : i32
    %dma_start3A_80 = arith.constant 0 : i32
    %dma_start3A_81 = arith.constant 0 : i32
    %dma_start3A_82 = tpu.memref_slice %arg6[%dma_start3A_80, %dma_start3A_81] : memref<160x128xf32, #tpu.memory_space<vmem>> -> memref<80x128xf32, #tpu.memory_space<vmem>>
    %dma_start3A_83 = arith.constant 0 : i32
    %dma_start3A_84 = tpu.memref_slice %arg5[%dma_start3A_78, %dma_start3A_79, %dma_start3A_83] : memref<32x4x80xi32, #tpu.memory_space<vmem>> -> memref<1x1x80xi32, #tpu.memory_space<vmem>>
    %dma_start3A_85 = tpu.memref_squeeze %dma_start3A_84 : memref<1x1x80xi32, #tpu.memory_space<vmem>> -> memref<80xi32, #tpu.memory_space<vmem>>
    %dma_start3A_86 = arith.constant 0 : i32
    %dma_start3A_87 = arith.constant 0 : i32
    %dma_start3A_88 = tpu.memref_slice %arg7[%dma_start3A_86, %dma_start3A_87] : memref<10000x128xf32, #tpu.memory_space<vmem_shared>> -> memref<10000x128xf32, #tpu.memory_space<vmem_shared>>
    tpu.enqueue_indirect_dma source(%dma_start3A_88 : memref<10000x128xf32, #tpu.memory_space<vmem_shared>>) target(%dma_start3A_82 : memref<80x128xf32, #tpu.memory_space<vmem>>) offsets(%dma_start3A_85 : memref<80xi32, #tpu.memory_space<vmem>>) semaphore(%arg8 : memref<!tpu.dma_semaphore, #tpu.memory_space<semaphore_mem>>)
    %dma_start3A_89 = arith.constant 0 : i32
    %dma_start3A_90 = arith.constant 3 : i32
    %dma_start3A_91 = arith.constant 80 : i32
    %dma_start3A_92 = arith.constant 0 : i32
    %dma_start3A_93 = tpu.memref_slice %arg6[%dma_start3A_91, %dma_start3A_92] : memref<160x128xf32, #tpu.memory_space<vmem>> -> memref<80x128xf32, #tpu.memory_space<vmem>>
    %dma_start3A_94 = arith.constant 0 : i32
    %dma_start3A_95 = tpu.memref_slice %arg5[%dma_start3A_89, %dma_start3A_90, %dma_start3A_94] : memref<32x4x80xi32, #tpu.memory_space<vmem>> -> memref<1x1x80xi32, #tpu.memory_space<vmem>>
    %dma_start3A_96 = tpu.memref_squeeze %dma_start3A_95 : memref<1x1x80xi32, #tpu.memory_space<vmem>> -> memref<80xi32, #tpu.memory_space<vmem>>
    %dma_start3A_97 = arith.constant 0 : i32
    %dma_start3A_98 = arith.constant 0 : i32
    %dma_start3A_99 = tpu.memref_slice %arg7[%dma_start3A_97, %dma_start3A_98] : memref<10000x128xf32, #tpu.memory_space<vmem_shared>> -> memref<10000x128xf32, #tpu.memory_space<vmem_shared>>
    tpu.enqueue_indirect_dma source(%dma_start3A_99 : memref<10000x128xf32, #tpu.memory_space<vmem_shared>>) target(%dma_start3A_93 : memref<80x128xf32, #tpu.memory_space<vmem>>) offsets(%dma_start3A_96 : memref<80xi32, #tpu.memory_space<vmem>>) semaphore(%arg8 : memref<!tpu.dma_semaphore, #tpu.memory_space<semaphore_mem>>)
    %dma_wait3A_100 = arith.constant 0 : i32
    %dma_wait3A_101 = arith.constant 2 : i32
    %dma_wait3A_102 = arith.constant 0 : i32
    %dma_wait3A_103 = arith.constant 0 : i32
    %dma_wait3A_104 = tpu.memref_slice %arg6[%dma_wait3A_102, %dma_wait3A_103] : memref<160x128xf32, #tpu.memory_space<vmem>> -> memref<80x128xf32, #tpu.memory_space<vmem>>
    %dma_wait3A_105 = arith.constant 0 : i32
    %dma_wait3A_106 = tpu.memref_slice %arg5[%dma_wait3A_100, %dma_wait3A_101, %dma_wait3A_105] : memref<32x4x80xi32, #tpu.memory_space<vmem>> -> memref<1x1x80xi32, #tpu.memory_space<vmem>>
    %dma_wait3A_107 = tpu.memref_squeeze %dma_wait3A_106 : memref<1x1x80xi32, #tpu.memory_space<vmem>> -> memref<80xi32, #tpu.memory_space<vmem>>
    %dma_wait3A_108 = arith.constant 0 : i32
    %dma_wait3A_109 = arith.constant 0 : i32
    %dma_wait3A_110 = tpu.memref_slice %arg7[%dma_wait3A_108, %dma_wait3A_109] : memref<10000x128xf32, #tpu.memory_space<vmem_shared>> -> memref<10000x128xf32, #tpu.memory_space<vmem_shared>>
    tpu.wait_indirect_dma semaphore(%arg8 : memref<!tpu.dma_semaphore, #tpu.memory_space<semaphore_mem>>) src(%dma_wait3A_110 : memref<10000x128xf32, #tpu.memory_space<vmem_shared>>) dst(%dma_wait3A_104 : memref<80x128xf32, #tpu.memory_space<vmem>>)
    %dma_wait3A_111 = arith.constant 0 : i32
    %dma_wait3A_112 = arith.constant 3 : i32
    %dma_wait3A_113 = arith.constant 80 : i32
    %dma_wait3A_114 = arith.constant 0 : i32
    %dma_wait3A_115 = tpu.memref_slice %arg6[%dma_wait3A_113, %dma_wait3A_114] : memref<160x128xf32, #tpu.memory_space<vmem>> -> memref<80x128xf32, #tpu.memory_space<vmem>>
    %dma_wait3A_116 = arith.constant 0 : i32
    %dma_wait3A_117 = tpu.memref_slice %arg5[%dma_wait3A_111, %dma_wait3A_112, %dma_wait3A_116] : memref<32x4x80xi32, #tpu.memory_space<vmem>> -> memref<1x1x80xi32, #tpu.memory_space<vmem>>
    %dma_wait3A_118 = tpu.memref_squeeze %dma_wait3A_117 : memref<1x1x80xi32, #tpu.memory_space<vmem>> -> memref<80xi32, #tpu.memory_space<vmem>>
    %dma_wait3A_119 = arith.constant 0 : i32
    %dma_wait3A_120 = arith.constant 0 : i32
    %dma_wait3A_121 = tpu.memref_slice %arg7[%dma_wait3A_119, %dma_wait3A_120] : memref<10000x128xf32, #tpu.memory_space<vmem_shared>> -> memref<10000x128xf32, #tpu.memory_space<vmem_shared>>
    tpu.wait_indirect_dma semaphore(%arg8 : memref<!tpu.dma_semaphore, #tpu.memory_space<semaphore_mem>>) src(%dma_wait3A_121 : memref<10000x128xf32, #tpu.memory_space<vmem_shared>>) dst(%dma_wait3A_115 : memref<80x128xf32, #tpu.memory_space<vmem>>)
    %scan3A_122 = arith.constant 0 : i32
    %scan3A_123 = arith.constant 31 : i32
    %scan3A_124 = arith.addi %scan3A_122, %scan3A_123 : i32
    %scan3A_125 = arith.constant 1 : i32
    scf.for %scan3A_137 = %scan3A_122 to %scan3A_124 step %scan3A_125  : i32 {
      %mul3A_138 = arith.constant 1 : i32
      %mul3A_139 = arith.muli %scan3A_137, %mul3A_138 : i32
      %add3A_140 = arith.constant 1 : i32
      %add3A_141 = arith.addi %add3A_140, %mul3A_139 : i32
      %dma_start3A_142 = arith.constant 2 : i32
      %dma_start3A_143 = arith.constant 0 : i32
      %dma_start3A_144 = arith.constant 0 : i32
      %dma_start3A_145 = tpu.memref_slice %arg6[%dma_start3A_143, %dma_start3A_144] : memref<160x128xf32, #tpu.memory_space<vmem>> -> memref<80x128xf32, #tpu.memory_space<vmem>>
      %dma_start3A_146 = arith.constant 0 : i32
      %dma_start3A_147 = tpu.memref_slice %arg5[%add3A_141, %dma_start3A_142, %dma_start3A_146] : memref<32x4x80xi32, #tpu.memory_space<vmem>> -> memref<1x1x80xi32, #tpu.memory_space<vmem>>
      %dma_start3A_148 = tpu.memref_squeeze %dma_start3A_147 : memref<1x1x80xi32, #tpu.memory_space<vmem>> -> memref<80xi32, #tpu.memory_space<vmem>>
      %dma_start3A_149 = arith.constant 0 : i32
      %dma_start3A_150 = arith.constant 0 : i32
      %dma_start3A_151 = tpu.memref_slice %arg7[%dma_start3A_149, %dma_start3A_150] : memref<10000x128xf32, #tpu.memory_space<vmem_shared>> -> memref<10000x128xf32, #tpu.memory_space<vmem_shared>>
      tpu.enqueue_indirect_dma source(%dma_start3A_151 : memref<10000x128xf32, #tpu.memory_space<vmem_shared>>) target(%dma_start3A_145 : memref<80x128xf32, #tpu.memory_space<vmem>>) offsets(%dma_start3A_148 : memref<80xi32, #tpu.memory_space<vmem>>) semaphore(%arg9 : memref<!tpu.dma_semaphore, #tpu.memory_space<semaphore_mem>>) {add = true}
      %dma_start3A_152 = arith.constant 3 : i32
      %dma_start3A_153 = arith.constant 80 : i32
      %dma_start3A_154 = arith.constant 0 : i32
      %dma_start3A_155 = tpu.memref_slice %arg6[%dma_start3A_153, %dma_start3A_154] : memref<160x128xf32, #tpu.memory_space<vmem>> -> memref<80x128xf32, #tpu.memory_space<vmem>>
      %dma_start3A_156 = arith.constant 0 : i32
      %dma_start3A_157 = tpu.memref_slice %arg5[%add3A_141, %dma_start3A_152, %dma_start3A_156] : memref<32x4x80xi32, #tpu.memory_space<vmem>> -> memref<1x1x80xi32, #tpu.memory_space<vmem>>
      %dma_start3A_158 = tpu.memref_squeeze %dma_start3A_157 : memref<1x1x80xi32, #tpu.memory_space<vmem>> -> memref<80xi32, #tpu.memory_space<vmem>>
      %dma_start3A_159 = arith.constant 0 : i32
      %dma_start3A_160 = arith.constant 0 : i32
      %dma_start3A_161 = tpu.memref_slice %arg7[%dma_start3A_159, %dma_start3A_160] : memref<10000x128xf32, #tpu.memory_space<vmem_shared>> -> memref<10000x128xf32, #tpu.memory_space<vmem_shared>>
      tpu.enqueue_indirect_dma source(%dma_start3A_161 : memref<10000x128xf32, #tpu.memory_space<vmem_shared>>) target(%dma_start3A_155 : memref<80x128xf32, #tpu.memory_space<vmem>>) offsets(%dma_start3A_158 : memref<80xi32, #tpu.memory_space<vmem>>) semaphore(%arg9 : memref<!tpu.dma_semaphore, #tpu.memory_space<semaphore_mem>>) {add = true}
    }
    %scan3A_126 = arith.constant 31 : i32
    %scan3A_127 = arith.constant 0 : i32
    %scan3A_128 = arith.constant 31 : i32
    %scan3A_129 = arith.addi %scan3A_127, %scan3A_128 : i32
    %scan3A_130 = arith.constant 1 : i32
    scf.for %scan3A_137 = %scan3A_127 to %scan3A_129 step %scan3A_130  : i32 {
      %mul3A_138 = arith.constant 1 : i32
      %mul3A_139 = arith.muli %scan3A_137, %mul3A_138 : i32
      %add3A_140 = arith.constant 1 : i32
      %add3A_141 = arith.addi %add3A_140, %mul3A_139 : i32
      %dma_wait3A_142 = arith.constant 2 : i32
      %dma_wait3A_143 = arith.constant 0 : i32
      %dma_wait3A_144 = arith.constant 0 : i32
      %dma_wait3A_145 = tpu.memref_slice %arg6[%dma_wait3A_143, %dma_wait3A_144] : memref<160x128xf32, #tpu.memory_space<vmem>> -> memref<80x128xf32, #tpu.memory_space<vmem>>
      %dma_wait3A_146 = arith.constant 0 : i32
      %dma_wait3A_147 = tpu.memref_slice %arg5[%add3A_141, %dma_wait3A_142, %dma_wait3A_146] : memref<32x4x80xi32, #tpu.memory_space<vmem>> -> memref<1x1x80xi32, #tpu.memory_space<vmem>>
      %dma_wait3A_148 = tpu.memref_squeeze %dma_wait3A_147 : memref<1x1x80xi32, #tpu.memory_space<vmem>> -> memref<80xi32, #tpu.memory_space<vmem>>
      %dma_wait3A_149 = arith.constant 0 : i32
      %dma_wait3A_150 = arith.constant 0 : i32
      %dma_wait3A_151 = tpu.memref_slice %arg7[%dma_wait3A_149, %dma_wait3A_150] : memref<10000x128xf32, #tpu.memory_space<vmem_shared>> -> memref<10000x128xf32, #tpu.memory_space<vmem_shared>>
      tpu.wait_indirect_dma semaphore(%arg9 : memref<!tpu.dma_semaphore, #tpu.memory_space<semaphore_mem>>) src(%dma_wait3A_151 : memref<10000x128xf32, #tpu.memory_space<vmem_shared>>) dst(%dma_wait3A_145 : memref<80x128xf32, #tpu.memory_space<vmem>>)
      %dma_wait3A_152 = arith.constant 3 : i32
      %dma_wait3A_153 = arith.constant 80 : i32
      %dma_wait3A_154 = arith.constant 0 : i32
      %dma_wait3A_155 = tpu.memref_slice %arg6[%dma_wait3A_153, %dma_wait3A_154] : memref<160x128xf32, #tpu.memory_space<vmem>> -> memref<80x128xf32, #tpu.memory_space<vmem>>
      %dma_wait3A_156 = arith.constant 0 : i32
      %dma_wait3A_157 = tpu.memref_slice %arg5[%add3A_141, %dma_wait3A_152, %dma_wait3A_156] : memref<32x4x80xi32, #tpu.memory_space<vmem>> -> memref<1x1x80xi32, #tpu.memory_space<vmem>>
      %dma_wait3A_158 = tpu.memref_squeeze %dma_wait3A_157 : memref<1x1x80xi32, #tpu.memory_space<vmem>> -> memref<80xi32, #tpu.memory_space<vmem>>
      %dma_wait3A_159 = arith.constant 0 : i32
      %dma_wait3A_160 = arith.constant 0 : i32
      %dma_wait3A_161 = tpu.memref_slice %arg7[%dma_wait3A_159, %dma_wait3A_160] : memref<10000x128xf32, #tpu.memory_space<vmem_shared>> -> memref<10000x128xf32, #tpu.memory_space<vmem_shared>>
      tpu.wait_indirect_dma semaphore(%arg9 : memref<!tpu.dma_semaphore, #tpu.memory_space<semaphore_mem>>) src(%dma_wait3A_161 : memref<10000x128xf32, #tpu.memory_space<vmem_shared>>) dst(%dma_wait3A_155 : memref<80x128xf32, #tpu.memory_space<vmem>>)
    }
    %scan3A_131 = arith.constant 31 : i32
    %lt3A_132 = arith.constant 31 : i32
    %lt3A_133 = arith.cmpi slt, %add3A, %lt3A_132 : i32
    %convert_element_type3A_134 = arith.extui %lt3A_133 : i1 to i32
    %cond3A_135 = arith.constant 0 : i32
    %cond3A_136 = arith.cmpi ne, %convert_element_type3A_134, %cond3A_135 : i32
    scf.if %cond3A_136 {
      %mul3A_137 = arith.constant 320 : i32
      %mul3A_138 = arith.muli %add3A, %mul3A_137 : i32
      %add3A_139 = arith.constant 160 : i32
      %add3A_140 = arith.addi %mul3A_138, %add3A_139 : i32
      "tpu.region"() ({
        %run_scoped3A = tpu.sem_alloc : memref<!tpu.dma_semaphore, #tpu.memory_space<semaphore_mem>>
        %dma_start3A_141 = arith.constant 0 : i32
        %dma_start3A_142 = tpu.memref_slice %arg4[%add3A_140, %dma_start3A_141] : memref<10000x128xf32, #tpu.memory_space<hbm>> -> memref<160x128xf32, #tpu.memory_space<hbm>>
        %dma_start3A_143 = arith.constant 0 : i32
        %dma_start3A_144 = tpu.memref_slice %arg4[%add3A_140, %dma_start3A_143] : memref<10000x128xf32, #tpu.memory_space<hbm>> -> memref<160x128xf32, #tpu.memory_space<hbm>>
        tpu.enqueue_dma source(%arg6 : memref<160x128xf32, #tpu.memory_space<vmem>>) target(%dma_start3A_144 : memref<160x128xf32, #tpu.memory_space<hbm>>) target_semaphore(%run_scoped3A : memref<!tpu.dma_semaphore, #tpu.memory_space<semaphore_mem>>)
        %dma_wait3A_145 = arith.constant 0 : i32
        %dma_wait3A_146 = tpu.memref_slice %arg4[%add3A_140, %dma_wait3A_145] : memref<10000x128xf32, #tpu.memory_space<hbm>> -> memref<160x128xf32, #tpu.memory_space<hbm>>
        %dma_wait3A_147 = arith.constant 0 : i32
        %dma_wait3A_148 = tpu.memref_slice %arg4[%add3A_140, %dma_wait3A_147] : memref<10000x128xf32, #tpu.memory_space<hbm>> -> memref<160x128xf32, #tpu.memory_space<hbm>>
        tpu.wait_dma2 semaphore(%run_scoped3A : memref<!tpu.dma_semaphore, #tpu.memory_space<semaphore_mem>>) src(%arg6 : memref<160x128xf32, #tpu.memory_space<vmem>>) dst(%dma_wait3A_148 : memref<160x128xf32, #tpu.memory_space<hbm>>)
        tpu.yield
      }) : () -> ()
    } else {
    }
    return
  }
}

module attributes {stable_mosaic.version = 14 : i64} {
  func.func @_ffn_x_body(%arg0: i32, %arg1: memref<10000x128xf32, #tpu.memory_space<vmem>>, %arg2: memref<1x128xf32, #tpu.memory_space<vmem>>, %arg3: memref<1x128xf32, #tpu.memory_space<vmem>>, %arg4: memref<1x128xf32, #tpu.memory_space<vmem>>, %arg5: memref<1x128xf32, #tpu.memory_space<vmem>>, %arg6: memref<128x128xf32, #tpu.memory_space<vmem>>, %arg7: memref<1x128xf32, #tpu.memory_space<vmem>>, %arg8: memref<1x10000x128xf32, #tpu.memory_space<vmem>>) attributes {dimension_semantics = [#tpu.dimension_semantics<arbitrary>], iteration_bounds = array<i64: 1>, scalar_prefetch = 0 : i64, scratch_operands = 0 : i64, tpu.core_type = #tpu.core_type<tc>, window_params = [{transform_indices = @transform_0, window_bounds = array<i64: 10000, 128>}, {pipeline_mode = #tpu.pipeline_mode<synchronous>, transform_indices = @transform_1, window_bounds = array<i64: 1, 128>}, {pipeline_mode = #tpu.pipeline_mode<synchronous>, transform_indices = @transform_2, window_bounds = array<i64: 1, 128>}, {pipeline_mode = #tpu.pipeline_mode<synchronous>, transform_indices = @transform_3, window_bounds = array<i64: 1, 128>}, {pipeline_mode = #tpu.pipeline_mode<synchronous>, transform_indices = @transform_4, window_bounds = array<i64: 1, 128>}, {pipeline_mode = #tpu.pipeline_mode<synchronous>, transform_indices = @transform_5, window_bounds = array<i64: 128, 128>}, {pipeline_mode = #tpu.pipeline_mode<synchronous>, transform_indices = @transform_6, window_bounds = array<i64: 1, 128>}, {transform_indices = @transform_7, window_bounds = array<i64: 1, 10000, 128>}]} {
    %get3A = arith.constant 0 : index
    %get3A_0 = arith.constant 0 : index
    %get3A_1 = vector.load %arg2[%get3A, %get3A_0] : memref<1x128xf32, #tpu.memory_space<vmem>>, vector<1x128xf32>
    %get3A_2 = arith.constant 0 : index
    %get3A_3 = arith.constant 0 : index
    %get3A_4 = vector.load %arg5[%get3A_2, %get3A_3] : memref<1x128xf32, #tpu.memory_space<vmem>>, vector<1x128xf32>
    %add3A = arith.constant 1.000000e-03 : f32
    %add3A_5 = vector.broadcast %add3A : f32 to vector<1x128xf32>
    %add3A_6 = arith.addf %get3A_4, %add3A_5 : vector<1x128xf32>
    %rsqrt3A = math.rsqrt %add3A_6 : vector<1x128xf32>
    %mul3A = arith.mulf %get3A_1, %rsqrt3A : vector<1x128xf32>
    %get3A_7 = arith.constant 0 : index
    %get3A_8 = arith.constant 0 : index
    %get3A_9 = vector.load %arg3[%get3A_7, %get3A_8] : memref<1x128xf32, #tpu.memory_space<vmem>>, vector<1x128xf32>
    %get3A_10 = arith.constant 0 : index
    %get3A_11 = arith.constant 0 : index
    %get3A_12 = vector.load %arg4[%get3A_10, %get3A_11] : memref<1x128xf32, #tpu.memory_space<vmem>>, vector<1x128xf32>
    %mul3A_13 = arith.mulf %get3A_12, %mul3A : vector<1x128xf32>
    %sub3A = arith.subf %get3A_9, %mul3A_13 : vector<1x128xf32>
    %get3A_14 = arith.constant 0 : index
    %get3A_15 = arith.constant 0 : index
    %get3A_16 = vector.load %arg1[%get3A_14, %get3A_15] : memref<10000x128xf32, #tpu.memory_space<vmem>>, vector<10000x128xf32>
    %mul3A_17 = vector.broadcast %mul3A : vector<1x128xf32> to vector<10000x128xf32>
    %mul3A_18 = arith.mulf %get3A_16, %mul3A_17 : vector<10000x128xf32>
    %add3A_19 = vector.broadcast %sub3A : vector<1x128xf32> to vector<10000x128xf32>
    %add3A_20 = arith.addf %mul3A_18, %add3A_19 : vector<10000x128xf32>
    %get3A_21 = arith.constant 0 : index
    %get3A_22 = arith.constant 0 : index
    %get3A_23 = vector.load %arg6[%get3A_21, %get3A_22] : memref<128x128xf32, #tpu.memory_space<vmem>>, vector<128x128xf32>
    %dot_general3A = arith.constant dense<0.000000e+00> : vector<10000x128xf32>
    %dot_general3A_24 = tpu.matmul %add3A_20, %get3A_23, %dot_general3A {dimension_numbers = #tpu.dot_dimension_numbers<[1], [0], [0], [1], [0, 0, 1, 1], [], []>, transpose_lhs_hint = false} : vector<10000x128xf32>, vector<128x128xf32>, vector<10000x128xf32> -> vector<10000x128xf32>
    %get3A_25 = arith.constant 0 : index
    %get3A_26 = arith.constant 0 : index
    %get3A_27 = vector.load %arg7[%get3A_25, %get3A_26] : memref<1x128xf32, #tpu.memory_space<vmem>>, vector<1x128xf32>
    %add3A_28 = vector.broadcast %get3A_27 : vector<1x128xf32> to vector<10000x128xf32>
    %add3A_29 = arith.addf %dot_general3A_24, %add3A_28 : vector<10000x128xf32>
    %mul3A_30 = arith.constant 5.000000e-01 : f32
    %mul3A_31 = vector.broadcast %mul3A_30 : f32 to vector<10000x128xf32>
    %mul3A_32 = arith.mulf %mul3A_31, %add3A_29 : vector<10000x128xf32>
    %mul3A_33 = arith.constant 0.707106769 : f32
    %mul3A_34 = vector.broadcast %mul3A_33 : f32 to vector<10000x128xf32>
    %mul3A_35 = arith.mulf %add3A_29, %mul3A_34 : vector<10000x128xf32>
    %erf3A = math.erf %mul3A_35 : vector<10000x128xf32>
    %add3A_36 = arith.constant 1.000000e+00 : f32
    %add3A_37 = vector.broadcast %add3A_36 : f32 to vector<10000x128xf32>
    %add3A_38 = arith.addf %add3A_37, %erf3A : vector<10000x128xf32>
    %mul3A_39 = arith.mulf %mul3A_32, %add3A_38 : vector<10000x128xf32>
    %swap3A = arith.constant 0 : index
    %swap3A_40 = arith.constant 0 : index
    %swap3A_41 = arith.constant 0 : index
    %swap3A_42 = vector.load %arg8[%swap3A, %swap3A_40, %swap3A_41] : memref<1x10000x128xf32, #tpu.memory_space<vmem>>, vector<1x10000x128xf32>
    %swap3A_43 = vector.shape_cast %swap3A_42 : vector<1x10000x128xf32> to vector<10000x128xf32>
    %swap3A_44 = vector.shape_cast %mul3A_39 : vector<10000x128xf32> to vector<1x10000x128xf32>
    tpu.vector_store %arg8[%swap3A, %swap3A_40, %swap3A_41], %swap3A_44 {strides = array<i32>} : memref<1x10000x128xf32, #tpu.memory_space<vmem>>, vector<1x10000x128xf32>,
    return
  }
  func.func @transform_0(%arg0: i32) -> (i32, i32) {
    %c0_i32 = arith.constant 0 : i32
    %c0_i32_0 = arith.constant 0 : i32
    return %arg0, %c0_i32 : i32, i32
  }
  func.func @transform_1(%arg0: i32) -> (i32, i32) {
    %c0_i32 = arith.constant 0 : i32
    %c0_i32_0 = arith.constant 0 : i32
    %c0_i32_1 = arith.constant 0 : i32
    return %c0_i32, %c0_i32_0 : i32, i32
  }
  func.func @transform_2(%arg0: i32) -> (i32, i32) {
    %c0_i32 = arith.constant 0 : i32
    %c0_i32_0 = arith.constant 0 : i32
    %c0_i32_1 = arith.constant 0 : i32
    return %c0_i32, %c0_i32_0 : i32, i32
  }
  func.func @transform_3(%arg0: i32) -> (i32, i32) {
    %c0_i32 = arith.constant 0 : i32
    %c0_i32_0 = arith.constant 0 : i32
    %c0_i32_1 = arith.constant 0 : i32
    return %c0_i32, %c0_i32_0 : i32, i32
  }
  func.func @transform_4(%arg0: i32) -> (i32, i32) {
    %c0_i32 = arith.constant 0 : i32
    %c0_i32_0 = arith.constant 0 : i32
    %c0_i32_1 = arith.constant 0 : i32
    return %c0_i32, %c0_i32_0 : i32, i32
  }
  func.func @transform_5(%arg0: i32) -> (i32, i32) {
    %c0_i32 = arith.constant 0 : i32
    %c0_i32_0 = arith.constant 0 : i32
    %c0_i32_1 = arith.constant 0 : i32
    return %c0_i32, %c0_i32_0 : i32, i32
  }
  func.func @transform_6(%arg0: i32) -> (i32, i32) {
    %c0_i32 = arith.constant 0 : i32
    %c0_i32_0 = arith.constant 0 : i32
    %c0_i32_1 = arith.constant 0 : i32
    return %c0_i32, %c0_i32_0 : i32, i32
  }
  func.func @transform_7(%arg0: i32) -> (i32, i32, i32) {
    %c0_i32 = arith.constant 0 : i32
    %c0_i32_0 = arith.constant 0 : i32
    %c0_i32_1 = arith.constant 0 : i32
    return %c0_i32, %arg0, %c0_i32_0 : i32, i32, i32
  }
}

module attributes {stable_mosaic.version = 14 : i64} {
  func.func @_ffn_agg_body(%arg0: i32, %arg1: memref<2x10000x128xf32, #tpu.memory_space<any>>, %arg2: memref<10000x128xf32, #tpu.memory_space<vmem>>, %arg3: memref<10000x128xf32, #tpu.memory_space<vmem>>, %arg4: memref<1x128xf32, #tpu.memory_space<vmem>>, %arg5: memref<1x128xf32, #tpu.memory_space<vmem>>, %arg6: memref<1x128xf32, #tpu.memory_space<vmem>>, %arg7: memref<1x128xf32, #tpu.memory_space<vmem>>, %arg8: memref<128x128xf32, #tpu.memory_space<vmem>>, %arg9: memref<1x128xf32, #tpu.memory_space<vmem>>, %arg10: memref<1x10000x128xf32, #tpu.memory_space<vmem>>) attributes {dimension_semantics = [#tpu.dimension_semantics<arbitrary>], iteration_bounds = array<i64: 1>, scalar_prefetch = 0 : i64, scratch_operands = 0 : i64, tpu.core_type = #tpu.core_type<tc>, window_params = [{}, {transform_indices = @transform_1, window_bounds = array<i64: 10000, 128>}, {transform_indices = @transform_2, window_bounds = array<i64: 10000, 128>}, {pipeline_mode = #tpu.pipeline_mode<synchronous>, transform_indices = @transform_3, window_bounds = array<i64: 1, 128>}, {pipeline_mode = #tpu.pipeline_mode<synchronous>, transform_indices = @transform_4, window_bounds = array<i64: 1, 128>}, {pipeline_mode = #tpu.pipeline_mode<synchronous>, transform_indices = @transform_5, window_bounds = array<i64: 1, 128>}, {pipeline_mode = #tpu.pipeline_mode<synchronous>, transform_indices = @transform_6, window_bounds = array<i64: 1, 128>}, {pipeline_mode = #tpu.pipeline_mode<synchronous>, transform_indices = @transform_7, window_bounds = array<i64: 128, 128>}, {pipeline_mode = #tpu.pipeline_mode<synchronous>, transform_indices = @transform_8, window_bounds = array<i64: 1, 128>}, {transform_indices = @transform_9, window_bounds = array<i64: 1, 10000, 128>}]} {
    %get3A = arith.constant 0 : index
    %get3A_0 = arith.constant 0 : index
    %get3A_1 = vector.load %arg4[%get3A, %get3A_0] : memref<1x128xf32, #tpu.memory_space<vmem>>, vector<1x128xf32>
    %get3A_2 = arith.constant 0 : index
    %get3A_3 = arith.constant 0 : index
    %get3A_4 = vector.load %arg7[%get3A_2, %get3A_3] : memref<1x128xf32, #tpu.memory_space<vmem>>, vector<1x128xf32>
    %add3A = arith.constant 1.000000e-03 : f32
    %add3A_5 = vector.broadcast %add3A : f32 to vector<1x128xf32>
    %add3A_6 = arith.addf %get3A_4, %add3A_5 : vector<1x128xf32>
    %rsqrt3A = math.rsqrt %add3A_6 : vector<1x128xf32>
    %mul3A = arith.mulf %get3A_1, %rsqrt3A : vector<1x128xf32>
    %get3A_7 = arith.constant 0 : index
    %get3A_8 = arith.constant 0 : index
    %get3A_9 = vector.load %arg5[%get3A_7, %get3A_8] : memref<1x128xf32, #tpu.memory_space<vmem>>, vector<1x128xf32>
    %get3A_10 = arith.constant 0 : index
    %get3A_11 = arith.constant 0 : index
    %get3A_12 = vector.load %arg6[%get3A_10, %get3A_11] : memref<1x128xf32, #tpu.memory_space<vmem>>, vector<1x128xf32>
    %mul3A_13 = arith.mulf %get3A_12, %mul3A : vector<1x128xf32>
    %sub3A = arith.subf %get3A_9, %mul3A_13 : vector<1x128xf32>
    %get3A_14 = arith.constant 0 : index
    %get3A_15 = arith.constant 0 : index
    %get3A_16 = vector.load %arg2[%get3A_14, %get3A_15] : memref<10000x128xf32, #tpu.memory_space<vmem>>, vector<10000x128xf32>
    %get3A_17 = arith.constant 0 : index
    %get3A_18 = arith.constant 0 : index
    %get3A_19 = vector.load %arg3[%get3A_17, %get3A_18] : memref<10000x128xf32, #tpu.memory_space<vmem>>, vector<10000x128xf32>
    %add3A_20 = arith.addf %get3A_16, %get3A_19 : vector<10000x128xf32>
    %mul3A_21 = vector.broadcast %mul3A : vector<1x128xf32> to vector<10000x128xf32>
    %mul3A_22 = arith.mulf %add3A_20, %mul3A_21 : vector<10000x128xf32>
    %add3A_23 = vector.broadcast %sub3A : vector<1x128xf32> to vector<10000x128xf32>
    %add3A_24 = arith.addf %mul3A_22, %add3A_23 : vector<10000x128xf32>
    %get3A_25 = arith.constant 0 : index
    %get3A_26 = arith.constant 0 : index
    %get3A_27 = vector.load %arg8[%get3A_25, %get3A_26] : memref<128x128xf32, #tpu.memory_space<vmem>>, vector<128x128xf32>
    %dot_general3A = arith.constant dense<0.000000e+00> : vector<10000x128xf32>
    %dot_general3A_28 = tpu.matmul %add3A_24, %get3A_27, %dot_general3A {dimension_numbers = #tpu.dot_dimension_numbers<[1], [0], [0], [1], [0, 0, 1, 1], [], []>, transpose_lhs_hint = false} : vector<10000x128xf32>, vector<128x128xf32>, vector<10000x128xf32> -> vector<10000x128xf32>
    %get3A_29 = arith.constant 0 : index
    %get3A_30 = arith.constant 0 : index
    %get3A_31 = vector.load %arg9[%get3A_29, %get3A_30] : memref<1x128xf32, #tpu.memory_space<vmem>>, vector<1x128xf32>
    %add3A_32 = vector.broadcast %get3A_31 : vector<1x128xf32> to vector<10000x128xf32>
    %add3A_33 = arith.addf %dot_general3A_28, %add3A_32 : vector<10000x128xf32>
    %mul3A_34 = arith.constant 5.000000e-01 : f32
    %mul3A_35 = vector.broadcast %mul3A_34 : f32 to vector<10000x128xf32>
    %mul3A_36 = arith.mulf %mul3A_35, %add3A_33 : vector<10000x128xf32>
    %mul3A_37 = arith.constant 0.707106769 : f32
    %mul3A_38 = vector.broadcast %mul3A_37 : f32 to vector<10000x128xf32>
    %mul3A_39 = arith.mulf %add3A_33, %mul3A_38 : vector<10000x128xf32>
    %erf3A = math.erf %mul3A_39 : vector<10000x128xf32>
    %add3A_40 = arith.constant 1.000000e+00 : f32
    %add3A_41 = vector.broadcast %add3A_40 : f32 to vector<10000x128xf32>
    %add3A_42 = arith.addf %add3A_41, %erf3A : vector<10000x128xf32>
    %mul3A_43 = arith.mulf %mul3A_36, %add3A_42 : vector<10000x128xf32>
    %swap3A = arith.constant 0 : index
    %swap3A_44 = arith.constant 0 : index
    %swap3A_45 = arith.constant 0 : index
    %swap3A_46 = vector.load %arg10[%swap3A, %swap3A_44, %swap3A_45] : memref<1x10000x128xf32, #tpu.memory_space<vmem>>, vector<1x10000x128xf32>
    %swap3A_47 = vector.shape_cast %swap3A_46 : vector<1x10000x128xf32> to vector<10000x128xf32>
    %swap3A_48 = vector.shape_cast %mul3A_43 : vector<10000x128xf32> to vector<1x10000x128xf32>
    tpu.vector_store %arg10[%swap3A, %swap3A_44, %swap3A_45], %swap3A_48 {strides = array<i32>} : memref<1x10000x128xf32, #tpu.memory_space<vmem>>, vector<1x10000x128xf32>,
    return
  }
  func.func @transform_1(%arg0: i32) -> (i32, i32) {
    %c0_i32 = arith.constant 0 : i32
    %c0_i32_0 = arith.constant 0 : i32
    return %arg0, %c0_i32 : i32, i32
  }
  func.func @transform_2(%arg0: i32) -> (i32, i32) {
    %c0_i32 = arith.constant 0 : i32
    %c0_i32_0 = arith.constant 0 : i32
    return %arg0, %c0_i32 : i32, i32
  }
  func.func @transform_3(%arg0: i32) -> (i32, i32) {
    %c0_i32 = arith.constant 0 : i32
    %c0_i32_0 = arith.constant 0 : i32
    %c0_i32_1 = arith.constant 0 : i32
    return %c0_i32, %c0_i32_0 : i32, i32
  }
  func.func @transform_4(%arg0: i32) -> (i32, i32) {
    %c0_i32 = arith.constant 0 : i32
    %c0_i32_0 = arith.constant 0 : i32
    %c0_i32_1 = arith.constant 0 : i32
    return %c0_i32, %c0_i32_0 : i32, i32
  }
  func.func @transform_5(%arg0: i32) -> (i32, i32) {
    %c0_i32 = arith.constant 0 : i32
    %c0_i32_0 = arith.constant 0 : i32
    %c0_i32_1 = arith.constant 0 : i32
    return %c0_i32, %c0_i32_0 : i32, i32
  }
  func.func @transform_6(%arg0: i32) -> (i32, i32) {
    %c0_i32 = arith.constant 0 : i32
    %c0_i32_0 = arith.constant 0 : i32
    %c0_i32_1 = arith.constant 0 : i32
    return %c0_i32, %c0_i32_0 : i32, i32
  }
  func.func @transform_7(%arg0: i32) -> (i32, i32) {
    %c0_i32 = arith.constant 0 : i32
    %c0_i32_0 = arith.constant 0 : i32
    %c0_i32_1 = arith.constant 0 : i32
    return %c0_i32, %c0_i32_0 : i32, i32
  }
  func.func @transform_8(%arg0: i32) -> (i32, i32) {
    %c0_i32 = arith.constant 0 : i32
    %c0_i32_0 = arith.constant 0 : i32
    %c0_i32_1 = arith.constant 0 : i32
    return %c0_i32, %c0_i32_0 : i32, i32
  }
  func.func @transform_9(%arg0: i32) -> (i32, i32, i32) {
    %c1_i32 = arith.constant 1 : i32
    %c0_i32 = arith.constant 0 : i32
    %c0_i32_0 = arith.constant 0 : i32
    return %c1_i32, %arg0, %c0_i32 : i32, i32, i32
  }
}

</mosaic_0001>

<sc_bundles>
// kernel: kernel.5.cloned.1.call-start
scs
__scs_entry_jumppad:
0x0: {  	(pc) =	sbr.rel $0x88, $3  }
0x1: {  	(tag) =	ssettag $0x0;
	lr =	simm.s32 $0x1  }
0x2: {  	[smem:$0x3F99] =	sst lr;
	_ =	strace $0xD0000000  }
0x3: {  	_ = 	snop  }
0x4: {  	_ = 	snop  }
0x5: {  	_ = 	snop  }
0x6: {  	_ = 	snop  }
0x7: {  	_ = 	snop  }
__scs_overlays_trampoline_lowered:
0x8: {  	[smem:$0x3FA8] =	sst s0  }
0x9: {  	[smem:$0x3FA9] =	sst s1  }
0xa: {  	[smem:$0x3FAA] =	sst s2  }
0xb: {  	[smem:$0x3FAB] =	sst s3  }
0xc: {  	[smem:$0x3FAC] =	sst s4  }
0xd: {  	[smem:$0x3FAD] =	sst s5  }
0xe: {  	[smem:$0x3FAE] =	sst s6  }
0xf: {  	[smem:$0x3FAF] =	sst s7  }
0x10: {  	[smem:$0x3FB0] =	sst s8  }
0x11: {  	[smem:$0x3FB1] =	sst s9;
	s0 =	simm.s32 @!p0 $0x0  }
0x12: {  	s1 =	sld [smem:$0x3F97];
	s0 =	simm.s32 @p0 $0x1  }
0x13: {  	[smem:$0x3FB2] =	sst s0;
	s0 =	simm.s32 @!p1 $0x0  }
0x14: {  	s2 =	sld [smem:$0x3F96];
	s0 =	simm.s32 @p1 $0x1  }
0x15: {  	[smem:$0x3FB3] =	sst s0;
	s0 =	simm.s32 @!p2 $0x0  }
0x16: {  	s3 =	sld [smem:$0x3FDB];
	s0 =	simm.s32 @p2 $0x1  }
0x17: {  	s4 =	simm.s32 $0x1BF5;
	[smem:$0x3FB5] =	sst s0  }
0x18: {  	s0 =	sld [smem:$0x3F98];
	_ =	swait.ge [sflag:s4], $0x0  }
0x19: {  	s7 =	sld [smem:$0x3F99]  }
0x1a: {  	s8 =	sadd.s32 $0xFFFFE003, lr  }
0x1b: {  	s9 =	sadd.s32 $0xFFFFFEF7, lr;
	s5 =	simm.s32 $0xFFFFFFFF;
	p2 =	slt.u32 s8, $0xFFFFF086  }
0x1c: {  	p1 =	slt.u32 s9, $0xF7A;
	s5 =	simm.s32 @!p2 $0x0  }
0x1d: {  	s5 =	simm.s32 @p1 $0x1;
	p0 =	seq.s32 s7, s2  }
0x1e: {  	s7 =	smul.u32 @!p0 $0xF7A, s2;
	p2 =	seq.s32 @!p0 s5, $0x0  }
0x1f: {  	s9 =	smul.u32 $0xF7A, s1;
	s8 =	simm.s32 @!p0 $0x1BF5;
	p2 =	por !p2, p0  }
0x20: {  	[sflag:s8] =	ssyncset.s32 @!p0 $0xFFFFF086;
	s6 =	sadd.s32 @!p0 s3, s7;
	s7 =	simm.s32 @!p0 $0x108  }
0x21: {  	s3 =	sadd.s32 s3, s9;
	s6 =	sadd.s32 @!p0 $0x88, s6;
	s7 =	simm.s32 @p2 $0x1082  }
0x22: {  	[simem:s7], [sflag:s8] =	dma.local @!p0 [hbm:s6], $0xF7A  }
0x23: {  	s9 =	sor.u32 $0xD0000000, s2;
	s6 =	simm.s32 $0x108;
	_ =	swait.ge @!p0 [sflag:s8], $0x0  }
0x24: {  	s3 =	sadd.s32 $0x88, s3;
	s6 =	simm.s32 @!p1 $0x1082;
	[sflag:s4] =	ssyncset.s32 $0xFFFFF086  }
0x25: {  	[simem:s6], [sflag:s4] =	dma.local [hbm:s3], $0xF7A  }
0x26: {  	[smem:$0x3F99] =	sst s1;
	(tag) =	ssettag s2;
	_ =	strace s9  }
0x27: {  	s1 =	sld [smem:$0x3FA9]  }
0x28: {  	s2 =	sld [smem:$0x3FAA]  }
0x29: {  	s4 =	sld [smem:$0x3FAC]  }
0x2a: {  	p0 =	seq.s32 s5, $0x0;
	s5 =	sld [smem:$0x3FAD]  }
0x2b: {  	s6 =	sld [smem:$0x3FAE]  }
0x2c: {  	s7 =	sld [smem:$0x3FAF]  }
0x2d: {  	s3 =	simm.s32 $0x108;
	s8 =	sld [smem:$0x3FB0]  }
0x2e: {  	s3 =	simm.s32 @!p0 $0x1082;
	s9 =	sld [smem:$0x3FB1]  }
0x2f: {  	lr =	sadd.s32 s0, s3;
	s0 =	sld [smem:$0x3FA8]  }
0x30: {  	s3 =	sld [smem:$0x3FAB]  }
0x31: {  	[smem:$0x3FB4] =	sst s10  }
0x32: {  	s10 =	sld [smem:$0x3FB2];
	_ =	sdelay $0x3  }
0x33: {  	p0 =	seq.s32 s10, $0x1;
	s10 =	sld [smem:$0x3FB4];
	_ =	sdelay $0x3  }
0x34: {  	[smem:$0x3FB4] =	sst s10  }
0x35: {  	s10 =	sld [smem:$0x3FB3];
	_ =	sdelay $0x3  }
0x36: {  	p1 =	seq.s32 s10, $0x1;
	s10 =	sld [smem:$0x3FB4];
	_ =	sdelay $0x3  }
0x37: {  	[smem:$0x3FB4] =	sst s10  }
0x38: {  	s10 =	sld [smem:$0x3FB5]  }
0x39: {  	_ = 	snop;
	(pc) =	sbr.ind lr, $3  }
0x3a: {  	_ = 	snop  }
0x3b: {  	_ = 	snop  }
0x3c: {  	p2 =	seq.s32 s10, $0x1;
	s10 =	sld [smem:$0x3FB4]  }
0x3d: {  	_ =	shalt  }
0x3e: {  	_ =	shalt  }
0x3f: {  	_ =	shalt  }
0x40: {  	_ =	shalt  }
0x41: {  	_ =	shalt  }
0x42: {  	_ =	shalt  }
0x43: {  	_ =	shalt  }
0x44: {  	_ =	shalt  }
0x45: {  	_ =	shalt  }
0x46: {  	_ =	shalt  }
0x47: {  	_ =	shalt  }
0x48: {  	_ =	shalt  }
0x49: {  	_ =	shalt  }
0x4a: {  	_ =	shalt  }
0x4b: {  	_ =	shalt  }
0x4c: {  	_ =	shalt  }
0x4d: {  	_ =	shalt  }
0x4e: {  	_ =	shalt  }
0x4f: {  	_ =	shalt  }
0x50: {  	_ =	shalt  }
0x51: {  	_ =	shalt  }
0x52: {  	_ =	shalt  }
0x53: {  	_ =	shalt  }
0x54: {  	_ =	shalt  }
0x55: {  	_ =	shalt  }
0x56: {  	_ =	shalt  }
0x57: {  	_ =	shalt  }
0x58: {  	_ =	shalt  }
0x59: {  	_ =	shalt  }
0x5a: {  	_ =	shalt  }
0x5b: {  	_ =	shalt  }
0x5c: {  	_ =	shalt  }
0x5d: {  	_ =	shalt  }
0x5e: {  	_ =	shalt  }
0x5f: {  	_ =	shalt  }
0x60: {  	_ =	shalt  }
0x61: {  	_ =	shalt  }
0x62: {  	_ =	shalt  }
0x63: {  	_ =	shalt  }
0x64: {  	_ =	shalt  }
0x65: {  	_ =	shalt  }
0x66: {  	_ =	shalt  }
0x67: {  	_ =	shalt  }
0x68: {  	_ =	shalt  }
0x69: {  	_ =	shalt  }
0x6a: {  	_ =	shalt  }
0x6b: {  	_ =	shalt  }
0x6c: {  	_ =	shalt  }
0x6d: {  	_ =	shalt  }
0x6e: {  	_ =	shalt  }
0x6f: {  	_ =	shalt  }
0x70: {  	_ =	shalt  }
0x71: {  	_ =	shalt  }
0x72: {  	_ =	shalt  }
0x73: {  	_ =	shalt  }
0x74: {  	_ =	shalt  }
0x75: {  	_ =	shalt  }
0x76: {  	_ =	shalt  }
0x77: {  	_ =	shalt  }
0x78: {  	_ =	shalt  }
0x79: {  	_ =	shalt  }
0x7a: {  	_ =	shalt  }
0x7b: {  	_ =	shalt  }
0x7c: {  	_ =	shalt  }
0x7d: {  	_ =	shalt  }
0x7e: {  	_ =	shalt  }
0x7f: {  	_ =	shalt  }
0x80: {  	_ =	shalt  }
0x81: {  	_ =	shalt  }
0x82: {  	_ =	shalt  }
0x83: {  	_ =	shalt  }
0x84: {  	_ =	shalt  }
0x85: {  	_ =	shalt  }
0x86: {  	_ =	shalt  }
0x87: {  	_ =	shalt  }
.Lfunc_end0:
.L_simem_size_0:
called_computation_lowered:
.L_overlay_start_0:
0x88: {  	s2 =	sld [smem:$0x3FD9]  }
0x89: {  	s3 =	sld [smem:$0x3FFE];
	_ =	sdelay $0x1  }
0x8a: {  	s1 =	srdreg.scid  }
0x8b: {  	s0 =	sand.u32 $0x1, s1  }
0x8c: {  	s17 =	sshll.u32 s0, $0xA;
	s2 =	sadd.s32 s3, s2  }
0x8d: {  	s2 =	sadd.s32 s2, s17  }
0x8e: {  	[smem:$0x3FC0] =	sst s2  }
0x8f: {  	_ = 	snop  }
0x90: {  	s2 =	sld [smem:$0x3FC9];
	(tm) =	ssettm $0x1  }
0x91: {  	s18 =	sld [smem:$0x3FFB];
	_ =	sdelay $0x3  }
0x92: {  	_ =	strace s18  }
0x93: {  	s3 =	sld [smem:$0x3FFC];
	_ =	sdelay $0x3  }
0x94: {  	_ =	strace s3  }
0x95: {  	s3 =	sld [smem:$0x3FFD];
	_ =	sdelay $0x3  }
0x96: {  	_ =	strace s3  }
0x97: {  	_ =	strace $0x8FFFFFFF  }
0x98: {  	s19 =	sld [smem:$0x3FDB];
	_ =	sdelay $0x1  }
0x99: {  	s4 =	simm.s32 $_scs_section_size  }
0x9a: {  	s5 =	simm.s32 $_size__tile_overlayer_lowered;
	s6 =	simm.s32 $_tile_overlayer_lowered  }
0x9b: {  	s22 =	simm.s32 $0x1BFF;
	s21 =	sshll.u32 s6, $0x1;
	s3 =	sadd.s32 s4, s19  }
0x9c: {  	s7 =	simm.s32 $0x0;
	s20 =	sshll.u32 s5, $0x1;
	s5 =	sadd.s32 s21, s3  }
0x9d: {  	[timem:s7], [sflag:s22] =	dma.local [hbm:s5], s20  }
0x9e: {  	_ =	swait.ge [sflag:s22], s20  }
0x9f: {  	s4 =	ssub.s32 $0x0, s20;
	[sflag:s22] =	ssyncset.done $0x0  }
0xa0: {  	[sflag:s22] =	ssyncadd.s32 s4;
	_ =	sdelay $0x1  }
0xa1: {  	s23 =	simm.s32 $0x1B8B  }
0xa2: {  	_ =	swait.ge [sflag:s23], $0x1  }
0xa3: {  	[sflag:s23] =	ssyncset.done $0x0  }
0xa4: {  	s25 =	simm.s32 $0x1B8E;
	s24 =	sld [smem:$0x3FFE];
	[sflag:s23] =	ssyncadd.s32 $0xFFFFFFFF  }
0xa5: {  	s26 =	simm.s32 $execute0_lowered;
	[smem:$0x3FD2] =	sst s25  }
0xa6: {  	s5 =	sshll.u32 s26, $0x1;
	_ =	strace $0x80000046;
	[dreg:$0x1] =	wrdreg $0xFFFFFFFF  }
0xa7: {  	s28 =	simm.s32 $_size_execute0_lowered;
	s3 =	sadd.s32 s3, s5;
	[dreg:$0x0] =	wrdreg $0x0  }
0xa8: {  	s5 =	sshll.u32 s28, $0x1;
	[dreg:$0x2] =	wrdreg s3  }
0xa9: {  	[dreg:$0x3] =	wrdreg s5  }
0xaa: {  	[dreg:$0x4] =	wrdreg $0xC0  }
0xab: {  	_ =	task [dreg:s7], $0x5FFFF  }
0xac: {  	[dreg:$0x1] =	wrdreg $0xFFFFFFFF  }
0xad: {  	[dreg:$0x0] =	wrdreg $0x60  }
0xae: {  	[dreg:$0x2] =	wrdreg s2  }
0xaf: {  	[dreg:$0x3] =	wrdreg s24  }
0xb0: {  	[dreg:$0x4] =	wrdreg $0x90000  }
0xb1: {  	[dreg:$0x5] =	wrdreg $0x9  }
0xb2: {  	_ =	task.clear_ibuf [dreg:s7], $0x6FFFF;
	_ =	strace $0x90000046  }
0xb3: {  	s29 =	simm.s32 $0x9;
	_ =	strace $0x80000048  }
0xb4: {  	_ =	swait.ge [sflag:s29], $0x1  }
0xb5: {  	[sflag:s29] =	ssyncadd.s32 $0xFFFFFFFF  }
0xb6: {  	_ =	strace $0x90000048  }
0xb7: {  	_ =	sfence  }
0xb8: {  	s30 =	sld [smem:$0x0];
	_ =	sdelay $0x2  }
0xb9: {  	s31 =	sshll.u32 s1, $0xD;
	s1 =	sshrl.u32 s1, $0x2  }
0xba: {  	s3 =	sand.u32 $0x4000, s31;
	s1 =	sadd.s32 s1, s30  }
0xbb: {  	s0 =	sor.u32 s3, s0;
	s1 =	sshll.u32 s1, $0x11  }
0xbc: {  	s0 =	sor.u32 s1, s0  }
0xbd: {  	s0 =	sadd.s32 $0x8F2B, s0  }
0xbe: {  	[sflag:s0] =	ssyncadd.remote.s32 $0x1  }
0xbf: {  	_ =	sfence.sel $0xFFFF  }
0xc0: {  	[dreg:$0x0] =	wrdreg $0xFFFFFFFF;
	(pc) =	sbr.abs _section_cstart, $3  }
0xc1: {  	[dreg:$0x1] =	wrdreg $0xFFFFFFFF  }
0xc2: {  	_ =	task.clear_ibuf [dreg:s7], $0x2FFFF;
	_ =	strace $0x9FFFFFFF  }
0xc3: {  	(tm) =	ssettm $0x7FFFFFFF  }
tec
execute0_lowered:
.L_overlay_start_1:
0x0: {  	(tag) =	ssettag $0x1  }
0x1: {  	s0 =	rddreg [dreg:$0x0]  }
0x2: {  	s1 =	rddreg [dreg:$0x1];
	s3 =	srdreg.scid  }
0x3: {  	s14 =	stileid.u32;
	s2 =	rddreg [dreg:$0x2]  }
0x4: {  	s15 =	simm.s32 $0x50;
	s16 =	simm.s32 $0x4000;
	s18 =	simm.s32 $0x6800  }
0x5: {  	s19 =	simm.s32 $0x1;
	s30 =	simm.s32 $0x3700;
	s31 =	simm.s32 $0x3780  }
0x6: {  	s20 =	simm.s32 $0x3B80;
	s21 =	simm.s32 $0x3D00;
	s22 =	simm.s32 $0x3D80  }
0x7: {  	s23 =	simm.s32 $0x3F00;
	s24 =	simm.s32 $0x3F80;
	s25 =	simm.s32 $0x0  }
0x8: {  	s4 =	sand.u32 $0x1, s3;
	s5 =	sshll.u32 s14, $0x1;
	s26 =	smul.u32 $0x4F000, s14  }
0x9: {  	s3 =	simm.s32 $0x0;
	s9 =	sadd.s32 $0x11A00, s1;
	s7 =	smul.u32 $0x2780, s14  }
0xa: {  	s12 =	sadd.s32 $0x128400, s2;
	p0 =	seq.s32 s14, $0xF;
	s17 =	sor.u32 s4, s5  }
0xb: {  	[smem:$0x7FF] =	sst s3;
	s4 =	ssub.s32 $0x2, s4;
	s5 =	sshll.u32 s17, $0xB  }
0xc: {  	_ =	strace $0x80000047;
	s8 =	sshrl.u32 s4, $0x1;
	s10 =	smul.u32 $0x1400, s17  }
0xd: {  	s28 =	smul.u32 $0xA000, s17;
	p1 =	seq.s32 s17, $0x1F;
	s17 =	simm.s32 $0x3B00  }
0xe: {  	s6 =	sadd.s32 s5, s1;
	s5 =	sshrl.u32 s26, $0x2;
	s11 =	ssub.s32 s4, s8  }
0xf: {  	s4 =	sadd.s32 s0, s7;
	s8 =	sadd.s32 $0x38600, s1;
	s26 =	simm.s32 $0x2  }
0x10: {  	s1 =	simm.s32 $0x3900;
	s13 =	sadd.s32 s5, s2;
	s5 =	sadd.s32 $0x25080, s0  }
0x11: {  	s6 =	sadd.s32 $0x1A00, s6;
	s7 =	sadd.s32 s9, s10;
	s29 =	sshrl.u32 s28, $0x3  }
0x12: {  	s10 =	smax.u32 s11, $0x1;
	s11 =	sshrl.u32 @p0 s12, $0x3;
	s0 =	sadd.s32 s9, s29  }
0x13: {  	s13 =	sshrl.u32 @!p0 s13, $0x3;
	s9 =	sadd.s32 $0xA00, s0;
	s0 =	sshll.u32 @!p0 s14, $0x6  }
0x14: {  	s14 =	simm.s32 $0x3;
	s12 =	sor.u32 @!p0 $0x1C01, s0;
	s0 =	simm.s32 $0x3980  }
.LBB2_1:
0x15: {  	s28 =	simm.s32 @p0 $0x1FC1  }
0x16: {  	[spmem:s11], [sflag:s28] =	dma.local @p0 [hbm:s5], $0x2080  }
0x17: {  	[spmem:s13], [sflag:s12] =	dma.local @!p0 [hbm:s4], $0x2780  }
0x18: {  	[tilespmem:s3], [sflag:$0x3] =	stream.linear.gather [hbm4b:s6+s3], $0x4000, $0x38;
	[tilespmem:$0x1C880] =	vst v63  }
0x19: {  	_ =	swait.ge [sflag:s14], $0x4000  }
0x1a: {  	[sflag:s14] =	ssyncset.done $0x0  }
0x1b: {  	s28 =	simm.s32 @p0 $0x1;
	[sflag:s14] =	ssyncadd.s32 $0xFFFFC000  }
0x1c: {  	_ =	swait.ge @p0 [sflag:s28], $0x2080  }
0x1d: {  	[sflag:s28] =	ssyncset.done @p0 $0x0  }
0x1e: {  	[sflag:s28] =	ssyncadd.s32 @p0 $0xFFFFDF80;
	s28 =	simm.s32 @!p0 $0x1  }
0x1f: {  	_ =	swait.ge @!p0 [sflag:s28], $0x2780  }
0x20: {  	[sflag:s28] =	ssyncset.done @!p0 $0x0  }
0x21: {  	[sflag:s28] =	ssyncadd.s32 @!p0 $0xFFFFD880  }
0x22: {  	[bflag:$0x0] =	sbarrier.arrive $0xFFFF  }
0x23: {  	[tilespmem:s16], [sflag:$0x1] =	stream.indirect.gather [spmem:s2], $0x80, s3, s15, $0xb8;
	[tilespmem:$0x1C880] =	vst v63  }
0x24: {  	s28 =	simm.s32 $0x80  }
0x25: {  	[tilespmem:s18], [sflag:$0x1] =	stream.indirect.gather [spmem:s2], $0x80, s28, s15, $0xb8;
	[tilespmem:$0x1C880] =	vst v63  }
0x26: {  	_ =	swait.ge [sflag:s19], $0x2800  }
0x27: {  	[sflag:s19] =	ssyncset.done $0x0  }
0x28: {  	[sflag:s19] =	ssyncadd.s32 $0xFFFFD800  }
0x29: {  	_ =	swait.ge [sflag:s19], $0x2800  }
0x2a: {  	[sflag:s19] =	ssyncset.done $0x0  }
0x2b: {  	s28 =	simm.s32 $0x200;
	[sflag:s19] =	ssyncadd.s32 $0xFFFFD800  }
0x2c: {  	[tilespmem:s16], [sflag:$0x2] =	stream.indirect.gather.add.f32 [spmem:s2], $0x80, s28, s15, $0xb8;
	[tilespmem:$0x1C880] =	vst v63  }
0x2d: {  	s28 =	simm.s32 $0x280  }
0x2e: {  	[tilespmem:s18], [sflag:$0x2] =	stream.indirect.gather.add.f32 [spmem:s2], $0x80, s28, s15, $0xb8;
	[tilespmem:$0x1C880] =	vst v63  }
0x2f: {  	s28 =	simm.s32 $0x400  }
0x30: {  	[tilespmem:s16], [sflag:$0x2] =	stream.indirect.gather.add.f32 [spmem:s2], $0x80, s28, s15, $0xb8;
	[tilespmem:$0x1C880] =	vst v63  }
0x31: {  	s28 =	simm.s32 $0x480  }
0x32: {  	[tilespmem:s18], [sflag:$0x2] =	stream.indirect.gather.add.f32 [spmem:s2], $0x80, s28, s15, $0xb8;
	[tilespmem:$0x1C880] =	vst v63  }
0x33: {  	s28 =	simm.s32 $0x600  }
0x34: {  	[tilespmem:s16], [sflag:$0x2] =	stream.indirect.gather.add.f32 [spmem:s2], $0x80, s28, s15, $0xb8;
	[tilespmem:$0x1C880] =	vst v63  }
0x35: {  	s28 =	simm.s32 $0x680  }
0x36: {  	[tilespmem:s18], [sflag:$0x2] =	stream.indirect.gather.add.f32 [spmem:s2], $0x80, s28, s15, $0xb8;
	[tilespmem:$0x1C880] =	vst v63  }
0x37: {  	s28 =	simm.s32 $0x800  }
0x38: {  	[tilespmem:s16], [sflag:$0x2] =	stream.indirect.gather.add.f32 [spmem:s2], $0x80, s28, s15, $0xb8;
	[tilespmem:$0x1C880] =	vst v63  }
0x39: {  	s28 =	simm.s32 $0x880  }
0x3a: {  	[tilespmem:s18], [sflag:$0x2] =	stream.indirect.gather.add.f32 [spmem:s2], $0x80, s28, s15, $0xb8;
	[tilespmem:$0x1C880] =	vst v63  }
0x3b: {  	s28 =	simm.s32 $0xA00  }
0x3c: {  	[tilespmem:s16], [sflag:$0x2] =	stream.indirect.gather.add.f32 [spmem:s2], $0x80, s28, s15, $0xb8;
	[tilespmem:$0x1C880] =	vst v63  }
0x3d: {  	s28 =	simm.s32 $0xA80  }
0x3e: {  	[tilespmem:s18], [sflag:$0x2] =	stream.indirect.gather.add.f32 [spmem:s2], $0x80, s28, s15, $0xb8;
	[tilespmem:$0x1C880] =	vst v63  }
0x3f: {  	s28 =	simm.s32 $0xC00  }
0x40: {  	[tilespmem:s16], [sflag:$0x2] =	stream.indirect.gather.add.f32 [spmem:s2], $0x80, s28, s15, $0xb8;
	[tilespmem:$0x1C880] =	vst v63  }
0x41: {  	s28 =	simm.s32 $0xC80  }
0x42: {  	[tilespmem:s18], [sflag:$0x2] =	stream.indirect.gather.add.f32 [spmem:s2], $0x80, s28, s15, $0xb8;
	[tilespmem:$0x1C880] =	vst v63  }
0x43: {  	s28 =	simm.s32 $0xE00  }
0x44: {  	[tilespmem:s16], [sflag:$0x2] =	stream.indirect.gather.add.f32 [spmem:s2], $0x80, s28, s15, $0xb8;
	[tilespmem:$0x1C880] =	vst v63  }
0x45: {  	s28 =	simm.s32 $0xE80  }
0x46: {  	[tilespmem:s18], [sflag:$0x2] =	stream.indirect.gather.add.f32 [spmem:s2], $0x80, s28, s15, $0xb8;
	[tilespmem:$0x1C880] =	vst v63  }
0x47: {  	s28 =	simm.s32 $0x1000  }
0x48: {  	[tilespmem:s16], [sflag:$0x2] =	stream.indirect.gather.add.f32 [spmem:s2], $0x80, s28, s15, $0xb8;
	[tilespmem:$0x1C880] =	vst v63  }
0x49: {  	s28 =	simm.s32 $0x1080  }
0x4a: {  	[tilespmem:s18], [sflag:$0x2] =	stream.indirect.gather.add.f32 [spmem:s2], $0x80, s28, s15, $0xb8;
	[tilespmem:$0x1C880] =	vst v63  }
0x4b: {  	s28 =	simm.s32 $0x1200  }
0x4c: {  	[tilespmem:s16], [sflag:$0x2] =	stream.indirect.gather.add.f32 [spmem:s2], $0x80, s28, s15, $0xb8;
	[tilespmem:$0x1C880] =	vst v63  }
0x4d: {  	s28 =	simm.s32 $0x1280  }
0x4e: {  	[tilespmem:s18], [sflag:$0x2] =	stream.indirect.gather.add.f32 [spmem:s2], $0x80, s28, s15, $0xb8;
	[tilespmem:$0x1C880] =	vst v63  }
0x4f: {  	s28 =	simm.s32 $0x1400  }
0x50: {  	[tilespmem:s16], [sflag:$0x2] =	stream.indirect.gather.add.f32 [spmem:s2], $0x80, s28, s15, $0xb8;
	[tilespmem:$0x1C880] =	vst v63  }
0x51: {  	s28 =	simm.s32 $0x1480  }
0x52: {  	[tilespmem:s18], [sflag:$0x2] =	stream.indirect.gather.add.f32 [spmem:s2], $0x80, s28, s15, $0xb8;
	[tilespmem:$0x1C880] =	vst v63  }
0x53: {  	s28 =	simm.s32 $0x1600  }
0x54: {  	[tilespmem:s16], [sflag:$0x2] =	stream.indirect.gather.add.f32 [spmem:s2], $0x80, s28, s15, $0xb8;
	[tilespmem:$0x1C880] =	vst v63  }
0x55: {  	s28 =	simm.s32 $0x1680  }
0x56: {  	[tilespmem:s18], [sflag:$0x2] =	stream.indirect.gather.add.f32 [spmem:s2], $0x80, s28, s15, $0xb8;
	[tilespmem:$0x1C880] =	vst v63  }
0x57: {  	s28 =	simm.s32 $0x1800  }
0x58: {  	[tilespmem:s16], [sflag:$0x2] =	stream.indirect.gather.add.f32 [spmem:s2], $0x80, s28, s15, $0xb8;
	[tilespmem:$0x1C880] =	vst v63  }
0x59: {  	s28 =	simm.s32 $0x1880  }
0x5a: {  	[tilespmem:s18], [sflag:$0x2] =	stream.indirect.gather.add.f32 [spmem:s2], $0x80, s28, s15, $0xb8;
	[tilespmem:$0x1C880] =	vst v63  }
0x5b: {  	s28 =	simm.s32 $0x1A00  }
0x5c: {  	[tilespmem:s16], [sflag:$0x2] =	stream.indirect.gather.add.f32 [spmem:s2], $0x80, s28, s15, $0xb8;
	[tilespmem:$0x1C880] =	vst v63  }
0x5d: {  	s28 =	simm.s32 $0x1A80  }
0x5e: {  	[tilespmem:s18], [sflag:$0x2] =	stream.indirect.gather.add.f32 [spmem:s2], $0x80, s28, s15, $0xb8;
	[tilespmem:$0x1C880] =	vst v63  }
0x5f: {  	s28 =	simm.s32 $0x1C00  }
0x60: {  	[tilespmem:s16], [sflag:$0x2] =	stream.indirect.gather.add.f32 [spmem:s2], $0x80, s28, s15, $0xb8;
	[tilespmem:$0x1C880] =	vst v63  }
0x61: {  	s28 =	simm.s32 $0x1C80  }
0x62: {  	[tilespmem:s18], [sflag:$0x2] =	stream.indirect.gather.add.f32 [spmem:s2], $0x80, s28, s15, $0xb8;
	[tilespmem:$0x1C880] =	vst v63  }
0x63: {  	s28 =	simm.s32 $0x1E00  }
0x64: {  	[tilespmem:s16], [sflag:$0x2] =	stream.indirect.gather.add.f32 [spmem:s2], $0x80, s28, s15, $0xb8;
	[tilespmem:$0x1C880] =	vst v63  }
0x65: {  	s28 =	simm.s32 $0x1E80  }
0x66: {  	[tilespmem:s18], [sflag:$0x2] =	stream.indirect.gather.add.f32 [spmem:s2], $0x80, s28, s15, $0xb8;
	[tilespmem:$0x1C880] =	vst v63  }
0x67: {  	s28 =	simm.s32 $0x2000  }
0x68: {  	[tilespmem:s16], [sflag:$0x2] =	stream.indirect.gather.add.f32 [spmem:s2], $0x80, s28, s15, $0xb8;
	[tilespmem:$0x1C880] =	vst v63  }
0x69: {  	s28 =	simm.s32 $0x2080  }
0x6a: {  	[tilespmem:s18], [sflag:$0x2] =	stream.indirect.gather.add.f32 [spmem:s2], $0x80, s28, s15, $0xb8;
	[tilespmem:$0x1C880] =	vst v63  }
0x6b: {  	s28 =	simm.s32 $0x2200  }
0x6c: {  	[tilespmem:s16], [sflag:$0x2] =	stream.indirect.gather.add.f32 [spmem:s2], $0x80, s28, s15, $0xb8;
	[tilespmem:$0x1C880] =	vst v63  }
0x6d: {  	s28 =	simm.s32 $0x2280  }
0x6e: {  	[tilespmem:s18], [sflag:$0x2] =	stream.indirect.gather.add.f32 [spmem:s2], $0x80, s28, s15, $0xb8;
	[tilespmem:$0x1C880] =	vst v63  }
0x6f: {  	s28 =	simm.s32 $0x2400  }
0x70: {  	[tilespmem:s16], [sflag:$0x2] =	stream.indirect.gather.add.f32 [spmem:s2], $0x80, s28, s15, $0xb8;
	[tilespmem:$0x1C880] =	vst v63  }
0x71: {  	s28 =	simm.s32 $0x2480  }
0x72: {  	[tilespmem:s18], [sflag:$0x2] =	stream.indirect.gather.add.f32 [spmem:s2], $0x80, s28, s15, $0xb8;
	[tilespmem:$0x1C880] =	vst v63  }
0x73: {  	s28 =	simm.s32 $0x2600  }
0x74: {  	[tilespmem:s16], [sflag:$0x2] =	stream.indirect.gather.add.f32 [spmem:s2], $0x80, s28, s15, $0xb8;
	[tilespmem:$0x1C880] =	vst v63  }
0x75: {  	s28 =	simm.s32 $0x2680  }
0x76: {  	[tilespmem:s18], [sflag:$0x2] =	stream.indirect.gather.add.f32 [spmem:s2], $0x80, s28, s15, $0xb8;
	[tilespmem:$0x1C880] =	vst v63  }
0x77: {  	s28 =	simm.s32 $0x2800  }
0x78: {  	[tilespmem:s16], [sflag:$0x2] =	stream.indirect.gather.add.f32 [spmem:s2], $0x80, s28, s15, $0xb8;
	[tilespmem:$0x1C880] =	vst v63  }
0x79: {  	s28 =	simm.s32 $0x2880  }
0x7a: {  	[tilespmem:s18], [sflag:$0x2] =	stream.indirect.gather.add.f32 [spmem:s2], $0x80, s28, s15, $0xb8;
	[tilespmem:$0x1C880] =	vst v63  }
0x7b: {  	s28 =	simm.s32 $0x2A00  }
0x7c: {  	[tilespmem:s16], [sflag:$0x2] =	stream.indirect.gather.add.f32 [spmem:s2], $0x80, s28, s15, $0xb8;
	[tilespmem:$0x1C880] =	vst v63  }
0x7d: {  	s28 =	simm.s32 $0x2A80  }
0x7e: {  	[tilespmem:s18], [sflag:$0x2] =	stream.indirect.gather.add.f32 [spmem:s2], $0x80, s28, s15, $0xb8;
	[tilespmem:$0x1C880] =	vst v63  }
0x7f: {  	s28 =	simm.s32 $0x2C00  }
0x80: {  	[tilespmem:s16], [sflag:$0x2] =	stream.indirect.gather.add.f32 [spmem:s2], $0x80, s28, s15, $0xb8;
	[tilespmem:$0x1C880] =	vst v63  }
0x81: {  	s28 =	simm.s32 $0x2C80  }
0x82: {  	[tilespmem:s18], [sflag:$0x2] =	stream.indirect.gather.add.f32 [spmem:s2], $0x80, s28, s15, $0xb8;
	[tilespmem:$0x1C880] =	vst v63  }
0x83: {  	s28 =	simm.s32 $0x2E00  }
0x84: {  	[tilespmem:s16], [sflag:$0x2] =	stream.indirect.gather.add.f32 [spmem:s2], $0x80, s28, s15, $0xb8;
	[tilespmem:$0x1C880] =	vst v63  }
0x85: {  	s28 =	simm.s32 $0x2E80  }
0x86: {  	[tilespmem:s18], [sflag:$0x2] =	stream.indirect.gather.add.f32 [spmem:s2], $0x80, s28, s15, $0xb8;
	[tilespmem:$0x1C880] =	vst v63  }
0x87: {  	s28 =	simm.s32 $0x3000  }
0x88: {  	[tilespmem:s16], [sflag:$0x2] =	stream.indirect.gather.add.f32 [spmem:s2], $0x80, s28, s15, $0xb8;
	[tilespmem:$0x1C880] =	vst v63  }
0x89: {  	s28 =	simm.s32 $0x3080  }
0x8a: {  	[tilespmem:s18], [sflag:$0x2] =	stream.indirect.gather.add.f32 [spmem:s2], $0x80, s28, s15, $0xb8;
	[tilespmem:$0x1C880] =	vst v63  }
0x8b: {  	s28 =	simm.s32 $0x3200  }
0x8c: {  	[tilespmem:s16], [sflag:$0x2] =	stream.indirect.gather.add.f32 [spmem:s2], $0x80, s28, s15, $0xb8;
	[tilespmem:$0x1C880] =	vst v63  }
0x8d: {  	s28 =	simm.s32 $0x3280  }
0x8e: {  	[tilespmem:s18], [sflag:$0x2] =	stream.indirect.gather.add.f32 [spmem:s2], $0x80, s28, s15, $0xb8;
	[tilespmem:$0x1C880] =	vst v63  }
0x8f: {  	s28 =	simm.s32 $0x3400  }
0x90: {  	[tilespmem:s16], [sflag:$0x2] =	stream.indirect.gather.add.f32 [spmem:s2], $0x80, s28, s15, $0xb8;
	[tilespmem:$0x1C880] =	vst v63  }
0x91: {  	s28 =	simm.s32 $0x3480  }
0x92: {  	[tilespmem:s18], [sflag:$0x2] =	stream.indirect.gather.add.f32 [spmem:s2], $0x80, s28, s15, $0xb8;
	[tilespmem:$0x1C880] =	vst v63  }
0x93: {  	s28 =	simm.s32 $0x3600  }
0x94: {  	[tilespmem:s16], [sflag:$0x2] =	stream.indirect.gather.add.f32 [spmem:s2], $0x80, s28, s15, $0xb8;
	[tilespmem:$0x1C880] =	vst v63  }
0x95: {  	s28 =	simm.s32 $0x3680  }
0x96: {  	[tilespmem:s18], [sflag:$0x2] =	stream.indirect.gather.add.f32 [spmem:s2], $0x80, s28, s15, $0xb8;
	[tilespmem:$0x1C880] =	vst v63  }
0x97: {  	s28 =	simm.s32 $0x3800  }
0x98: {  	[tilespmem:s16], [sflag:$0x2] =	stream.indirect.gather.add.f32 [spmem:s2], $0x80, s28, s15, $0xb8;
	[tilespmem:$0x1C880] =	vst v63  }
0x99: {  	s28 =	simm.s32 $0x3880  }
0x9a: {  	[tilespmem:s18], [sflag:$0x2] =	stream.indirect.gather.add.f32 [spmem:s2], $0x80, s28, s15, $0xb8;
	[tilespmem:$0x1C880] =	vst v63  }
0x9b: {  	s28 =	simm.s32 $0x3A00  }
0x9c: {  	[tilespmem:s16], [sflag:$0x2] =	stream.indirect.gather.add.f32 [spmem:s2], $0x80, s28, s15, $0xb8;
	[tilespmem:$0x1C880] =	vst v63  }
0x9d: {  	s28 =	simm.s32 $0x3A80  }
0x9e: {  	[tilespmem:s18], [sflag:$0x2] =	stream.indirect.gather.add.f32 [spmem:s2], $0x80, s28, s15, $0xb8;
	[tilespmem:$0x1C880] =	vst v63  }
0x9f: {  	s28 =	simm.s32 $0x3C00  }
0xa0: {  	[tilespmem:s16], [sflag:$0x2] =	stream.indirect.gather.add.f32 [spmem:s2], $0x80, s28, s15, $0xb8;
	[tilespmem:$0x1C880] =	vst v63  }
0xa1: {  	s28 =	simm.s32 $0x3C80  }
0xa2: {  	[tilespmem:s18], [sflag:$0x2] =	stream.indirect.gather.add.f32 [spmem:s2], $0x80, s28, s15, $0xb8;
	[tilespmem:$0x1C880] =	vst v63  }
0xa3: {  	s28 =	simm.s32 $0x3E00  }
0xa4: {  	[tilespmem:s16], [sflag:$0x2] =	stream.indirect.gather.add.f32 [spmem:s2], $0x80, s28, s15, $0xb8;
	[tilespmem:$0x1C880] =	vst v63  }
0xa5: {  	s28 =	simm.s32 $0x3E80  }
0xa6: {  	[tilespmem:s18], [sflag:$0x2] =	stream.indirect.gather.add.f32 [spmem:s2], $0x80, s28, s15, $0xb8;
	[tilespmem:$0x1C880] =	vst v63  }
0xa7: {  	_ =	swait.ge [sflag:s26], $0x2800  }
0xa8: {  	[sflag:s26] =	ssyncset.done $0x0  }
0xa9: {  	[sflag:s26] =	ssyncadd.s32 $0xFFFFD800  }
0xaa: {  	_ =	swait.ge [sflag:s26], $0x2800  }
0xab: {  	s28 =	simm.s32 $0x1E;
	[sflag:s26] =	ssyncset.done $0x0  }
.LBB2_2:
0xac: {  	p2 =	sne.s32 s28, $0x1;
	s28 =	sadd.s32 $0xFFFFFFFF, s28;
	[sflag:s26] =	ssyncadd.s32 $0xFFFFD800  }
.Ltmp0:
0xad: {  	_ =	swait.ge [sflag:s26], $0x2800;
	(pc) =	sbr.rel @p2 .LBB2_2-.Ltmp0, $4  }
0xae: {  	[sflag:s26] =	ssyncset.done $0x0  }
0xaf: {  	[sflag:s26] =	ssyncadd.s32 $0xFFFFD800  }
0xb0: {  	_ =	swait.ge [sflag:s26], $0x2800  }
0xb1: {  	[sflag:s26] =	ssyncset.done $0x0  }
0xb2: {  	[sflag:s26] =	ssyncadd.s32 $0xFFFFD800;
	s28 =	simm.s32 @p1 $0x0;
	s29 =	simm.s32 @p1 $0x4000  }
0xb3: {  	[hbm4b:s8+s28] =	stream.linear.scatter @p1 [tilespmem:s29], [sflag:$0x3], $0x2800, $0x38;
	[tilespmem:$0x1C880] =	vst v63  }
0xb4: {  	s28 =	simm.s32 @p1 $0x3  }
0xb5: {  	_ =	swait.ge @p1 [sflag:s28], $0x2800  }
0xb6: {  	[sflag:s28] =	ssyncset.done @p1 $0x0  }
0xb7: {  	s29 =	simm.s32 @!p1 $0x4000;
	[sflag:s28] =	ssyncadd.s32 @p1 $0xFFFFD800;
	s28 =	simm.s32 @!p1 $0x0  }
0xb8: {  	[hbm4b:s7+s28] =	stream.linear.scatter @!p1 [tilespmem:s29], [sflag:$0x3], $0x5000, $0x38;
	[tilespmem:$0x1C880] =	vst v63  }
0xb9: {  	s28 =	simm.s32 @!p1 $0x3  }
0xba: {  	_ =	swait.ge @!p1 [sflag:s28], $0x5000  }
0xbb: {  	[sflag:s28] =	ssyncset.done @!p1 $0x0  }
0xbc: {  	[sflag:s28] =	ssyncadd.s32 @!p1 $0xFFFFB000;
	s28 =	simm.s32 $0x100  }
0xbd: {  	[tilespmem:s16], [sflag:$0x1] =	stream.indirect.gather [spmem:s2], $0x80, s28, s15, $0xb8;
	[tilespmem:$0x1C880] =	vst v63  }
0xbe: {  	s28 =	simm.s32 $0x180  }
0xbf: {  	[tilespmem:s18], [sflag:$0x1] =	stream.indirect.gather [spmem:s2], $0x80, s28, s15, $0xb8;
	[tilespmem:$0x1C880] =	vst v63  }
0xc0: {  	_ =	swait.ge [sflag:s19], $0x2800  }
0xc1: {  	[sflag:s19] =	ssyncset.done $0x0  }
0xc2: {  	[sflag:s19] =	ssyncadd.s32 $0xFFFFD800  }
0xc3: {  	_ =	swait.ge [sflag:s19], $0x2800  }
0xc4: {  	[sflag:s19] =	ssyncset.done $0x0  }
0xc5: {  	s28 =	simm.s32 $0x300;
	[sflag:s19] =	ssyncadd.s32 $0xFFFFD800  }
0xc6: {  	[tilespmem:s16], [sflag:$0x2] =	stream.indirect.gather.add.f32 [spmem:s2], $0x80, s28, s15, $0xb8;
	[tilespmem:$0x1C880] =	vst v63  }
0xc7: {  	s28 =	simm.s32 $0x380  }
0xc8: {  	[tilespmem:s18], [sflag:$0x2] =	stream.indirect.gather.add.f32 [spmem:s2], $0x80, s28, s15, $0xb8;
	[tilespmem:$0x1C880] =	vst v63  }
0xc9: {  	s28 =	simm.s32 $0x500  }
0xca: {  	[tilespmem:s16], [sflag:$0x2] =	stream.indirect.gather.add.f32 [spmem:s2], $0x80, s28, s15, $0xb8;
	[tilespmem:$0x1C880] =	vst v63  }
0xcb: {  	s28 =	simm.s32 $0x580  }
0xcc: {  	[tilespmem:s18], [sflag:$0x2] =	stream.indirect.gather.add.f32 [spmem:s2], $0x80, s28, s15, $0xb8;
	[tilespmem:$0x1C880] =	vst v63  }
0xcd: {  	s28 =	simm.s32 $0x700  }
0xce: {  	[tilespmem:s16], [sflag:$0x2] =	stream.indirect.gather.add.f32 [spmem:s2], $0x80, s28, s15, $0xb8;
	[tilespmem:$0x1C880] =	vst v63  }
0xcf: {  	s28 =	simm.s32 $0x780  }
0xd0: {  	[tilespmem:s18], [sflag:$0x2] =	stream.indirect.gather.add.f32 [spmem:s2], $0x80, s28, s15, $0xb8;
	[tilespmem:$0x1C880] =	vst v63  }
0xd1: {  	s28 =	simm.s32 $0x900  }
0xd2: {  	[tilespmem:s16], [sflag:$0x2] =	stream.indirect.gather.add.f32 [spmem:s2], $0x80, s28, s15, $0xb8;
	[tilespmem:$0x1C880] =	vst v63  }
0xd3: {  	s28 =	simm.s32 $0x980  }
0xd4: {  	[tilespmem:s18], [sflag:$0x2] =	stream.indirect.gather.add.f32 [spmem:s2], $0x80, s28, s15, $0xb8;
	[tilespmem:$0x1C880] =	vst v63  }
0xd5: {  	s28 =	simm.s32 $0xB00  }
0xd6: {  	[tilespmem:s16], [sflag:$0x2] =	stream.indirect.gather.add.f32 [spmem:s2], $0x80, s28, s15, $0xb8;
	[tilespmem:$0x1C880] =	vst v63  }
0xd7: {  	s28 =	simm.s32 $0xB80  }
0xd8: {  	[tilespmem:s18], [sflag:$0x2] =	stream.indirect.gather.add.f32 [spmem:s2], $0x80, s28, s15, $0xb8;
	[tilespmem:$0x1C880] =	vst v63  }
0xd9: {  	s28 =	simm.s32 $0xD00  }
0xda: {  	[tilespmem:s16], [sflag:$0x2] =	stream.indirect.gather.add.f32 [spmem:s2], $0x80, s28, s15, $0xb8;
	[tilespmem:$0x1C880] =	vst v63  }
0xdb: {  	s28 =	simm.s32 $0xD80  }
0xdc: {  	[tilespmem:s18], [sflag:$0x2] =	stream.indirect.gather.add.f32 [spmem:s2], $0x80, s28, s15, $0xb8;
	[tilespmem:$0x1C880] =	vst v63  }
0xdd: {  	s28 =	simm.s32 $0xF00  }
0xde: {  	[tilespmem:s16], [sflag:$0x2] =	stream.indirect.gather.add.f32 [spmem:s2], $0x80, s28, s15, $0xb8;
	[tilespmem:$0x1C880] =	vst v63  }
0xdf: {  	s28 =	simm.s32 $0xF80  }
0xe0: {  	[tilespmem:s18], [sflag:$0x2] =	stream.indirect.gather.add.f32 [spmem:s2], $0x80, s28, s15, $0xb8;
	[tilespmem:$0x1C880] =	vst v63  }
0xe1: {  	s28 =	simm.s32 $0x1100  }
0xe2: {  	[tilespmem:s16], [sflag:$0x2] =	stream.indirect.gather.add.f32 [spmem:s2], $0x80, s28, s15, $0xb8;
	[tilespmem:$0x1C880] =	vst v63  }
0xe3: {  	s28 =	simm.s32 $0x1180  }
0xe4: {  	[tilespmem:s18], [sflag:$0x2] =	stream.indirect.gather.add.f32 [spmem:s2], $0x80, s28, s15, $0xb8;
	[tilespmem:$0x1C880] =	vst v63  }
0xe5: {  	s28 =	simm.s32 $0x1300  }
0xe6: {  	[tilespmem:s16], [sflag:$0x2] =	stream.indirect.gather.add.f32 [spmem:s2], $0x80, s28, s15, $0xb8;
	[tilespmem:$0x1C880] =	vst v63  }
0xe7: {  	s28 =	simm.s32 $0x1380  }
0xe8: {  	[tilespmem:s18], [sflag:$0x2] =	stream.indirect.gather.add.f32 [spmem:s2], $0x80, s28, s15, $0xb8;
	[tilespmem:$0x1C880] =	vst v63  }
0xe9: {  	s28 =	simm.s32 $0x1500  }
0xea: {  	[tilespmem:s16], [sflag:$0x2] =	stream.indirect.gather.add.f32 [spmem:s2], $0x80, s28, s15, $0xb8;
	[tilespmem:$0x1C880] =	vst v63  }
0xeb: {  	s28 =	simm.s32 $0x1580  }
0xec: {  	[tilespmem:s18], [sflag:$0x2] =	stream.indirect.gather.add.f32 [spmem:s2], $0x80, s28, s15, $0xb8;
	[tilespmem:$0x1C880] =	vst v63  }
0xed: {  	s28 =	simm.s32 $0x1700  }
0xee: {  	[tilespmem:s16], [sflag:$0x2] =	stream.indirect.gather.add.f32 [spmem:s2], $0x80, s28, s15, $0xb8;
	[tilespmem:$0x1C880] =	vst v63  }
0xef: {  	s28 =	simm.s32 $0x1780  }
0xf0: {  	[tilespmem:s18], [sflag:$0x2] =	stream.indirect.gather.add.f32 [spmem:s2], $0x80, s28, s15, $0xb8;
	[tilespmem:$0x1C880] =	vst v63  }
0xf1: {  	s28 =	simm.s32 $0x1900  }
0xf2: {  	[tilespmem:s16], [sflag:$0x2] =	stream.indirect.gather.add.f32 [spmem:s2], $0x80, s28, s15, $0xb8;
	[tilespmem:$0x1C880] =	vst v63  }
0xf3: {  	s28 =	simm.s32 $0x1980  }
0xf4: {  	[tilespmem:s18], [sflag:$0x2] =	stream.indirect.gather.add.f32 [spmem:s2], $0x80, s28, s15, $0xb8;
	[tilespmem:$0x1C880] =	vst v63  }
0xf5: {  	s28 =	simm.s32 $0x1B00  }
0xf6: {  	[tilespmem:s16], [sflag:$0x2] =	stream.indirect.gather.add.f32 [spmem:s2], $0x80, s28, s15, $0xb8;
	[tilespmem:$0x1C880] =	vst v63  }
0xf7: {  	s28 =	simm.s32 $0x1B80  }
0xf8: {  	[tilespmem:s18], [sflag:$0x2] =	stream.indirect.gather.add.f32 [spmem:s2], $0x80, s28, s15, $0xb8;
	[tilespmem:$0x1C880] =	vst v63  }
0xf9: {  	s28 =	simm.s32 $0x1D00  }
0xfa: {  	[tilespmem:s16], [sflag:$0x2] =	stream.indirect.gather.add.f32 [spmem:s2], $0x80, s28, s15, $0xb8;
	[tilespmem:$0x1C880] =	vst v63  }
0xfb: {  	s28 =	simm.s32 $0x1D80  }
0xfc: {  	[tilespmem:s18], [sflag:$0x2] =	stream.indirect.gather.add.f32 [spmem:s2], $0x80, s28, s15, $0xb8;
	[tilespmem:$0x1C880] =	vst v63  }
0xfd: {  	s28 =	simm.s32 $0x1F00  }
0xfe: {  	[tilespmem:s16], [sflag:$0x2] =	stream.indirect.gather.add.f32 [spmem:s2], $0x80, s28, s15, $0xb8;
	[tilespmem:$0x1C880] =	vst v63  }
0xff: {  	s28 =	simm.s32 $0x1F80  }
0x100: {  	[tilespmem:s18], [sflag:$0x2] =	stream.indirect.gather.add.f32 [spmem:s2], $0x80, s28, s15, $0xb8;
	[tilespmem:$0x1C880] =	vst v63  }
0x101: {  	s28 =	simm.s32 $0x2100  }
0x102: {  	[tilespmem:s16], [sflag:$0x2] =	stream.indirect.gather.add.f32 [spmem:s2], $0x80, s28, s15, $0xb8;
	[tilespmem:$0x1C880] =	vst v63  }
0x103: {  	s28 =	simm.s32 $0x2180  }
0x104: {  	[tilespmem:s18], [sflag:$0x2] =	stream.indirect.gather.add.f32 [spmem:s2], $0x80, s28, s15, $0xb8;
	[tilespmem:$0x1C880] =	vst v63  }
0x105: {  	s28 =	simm.s32 $0x2300  }
0x106: {  	[tilespmem:s16], [sflag:$0x2] =	stream.indirect.gather.add.f32 [spmem:s2], $0x80, s28, s15, $0xb8;
	[tilespmem:$0x1C880] =	vst v63  }
0x107: {  	s28 =	simm.s32 $0x2380  }
0x108: {  	[tilespmem:s18], [sflag:$0x2] =	stream.indirect.gather.add.f32 [spmem:s2], $0x80, s28, s15, $0xb8;
	[tilespmem:$0x1C880] =	vst v63  }
0x109: {  	s28 =	simm.s32 $0x2500  }
0x10a: {  	[tilespmem:s16], [sflag:$0x2] =	stream.indirect.gather.add.f32 [spmem:s2], $0x80, s28, s15, $0xb8;
	[tilespmem:$0x1C880] =	vst v63  }
0x10b: {  	s28 =	simm.s32 $0x2580  }
0x10c: {  	[tilespmem:s18], [sflag:$0x2] =	stream.indirect.gather.add.f32 [spmem:s2], $0x80, s28, s15, $0xb8;
	[tilespmem:$0x1C880] =	vst v63  }
0x10d: {  	s28 =	simm.s32 $0x2700  }
0x10e: {  	[tilespmem:s16], [sflag:$0x2] =	stream.indirect.gather.add.f32 [spmem:s2], $0x80, s28, s15, $0xb8;
	[tilespmem:$0x1C880] =	vst v63  }
0x10f: {  	s28 =	simm.s32 $0x2780  }
0x110: {  	[tilespmem:s18], [sflag:$0x2] =	stream.indirect.gather.add.f32 [spmem:s2], $0x80, s28, s15, $0xb8;
	[tilespmem:$0x1C880] =	vst v63  }
0x111: {  	s28 =	simm.s32 $0x2900  }
0x112: {  	[tilespmem:s16], [sflag:$0x2] =	stream.indirect.gather.add.f32 [spmem:s2], $0x80, s28, s15, $0xb8;
	[tilespmem:$0x1C880] =	vst v63  }
0x113: {  	s28 =	simm.s32 $0x2980  }
0x114: {  	[tilespmem:s18], [sflag:$0x2] =	stream.indirect.gather.add.f32 [spmem:s2], $0x80, s28, s15, $0xb8;
	[tilespmem:$0x1C880] =	vst v63  }
0x115: {  	s28 =	simm.s32 $0x2B00  }
0x116: {  	[tilespmem:s16], [sflag:$0x2] =	stream.indirect.gather.add.f32 [spmem:s2], $0x80, s28, s15, $0xb8;
	[tilespmem:$0x1C880] =	vst v63  }
0x117: {  	s28 =	simm.s32 $0x2B80  }
0x118: {  	[tilespmem:s18], [sflag:$0x2] =	stream.indirect.gather.add.f32 [spmem:s2], $0x80, s28, s15, $0xb8;
	[tilespmem:$0x1C880] =	vst v63  }
0x119: {  	s28 =	simm.s32 $0x2D00  }
0x11a: {  	[tilespmem:s16], [sflag:$0x2] =	stream.indirect.gather.add.f32 [spmem:s2], $0x80, s28, s15, $0xb8;
	[tilespmem:$0x1C880] =	vst v63  }
0x11b: {  	s28 =	simm.s32 $0x2D80  }
0x11c: {  	[tilespmem:s18], [sflag:$0x2] =	stream.indirect.gather.add.f32 [spmem:s2], $0x80, s28, s15, $0xb8;
	[tilespmem:$0x1C880] =	vst v63  }
0x11d: {  	s28 =	simm.s32 $0x2F00  }
0x11e: {  	[tilespmem:s16], [sflag:$0x2] =	stream.indirect.gather.add.f32 [spmem:s2], $0x80, s28, s15, $0xb8;
	[tilespmem:$0x1C880] =	vst v63  }
0x11f: {  	s28 =	simm.s32 $0x2F80  }
0x120: {  	[tilespmem:s18], [sflag:$0x2] =	stream.indirect.gather.add.f32 [spmem:s2], $0x80, s28, s15, $0xb8;
	[tilespmem:$0x1C880] =	vst v63  }
0x121: {  	s28 =	simm.s32 $0x3100  }
0x122: {  	[tilespmem:s16], [sflag:$0x2] =	stream.indirect.gather.add.f32 [spmem:s2], $0x80, s28, s15, $0xb8;
	[tilespmem:$0x1C880] =	vst v63  }
0x123: {  	s28 =	simm.s32 $0x3180  }
0x124: {  	[tilespmem:s18], [sflag:$0x2] =	stream.indirect.gather.add.f32 [spmem:s2], $0x80, s28, s15, $0xb8;
	[tilespmem:$0x1C880] =	vst v63  }
0x125: {  	s28 =	simm.s32 $0x3300  }
0x126: {  	[tilespmem:s16], [sflag:$0x2] =	stream.indirect.gather.add.f32 [spmem:s2], $0x80, s28, s15, $0xb8;
	[tilespmem:$0x1C880] =	vst v63  }
0x127: {  	s28 =	simm.s32 $0x3380  }
0x128: {  	[tilespmem:s18], [sflag:$0x2] =	stream.indirect.gather.add.f32 [spmem:s2], $0x80, s28, s15, $0xb8;
	[tilespmem:$0x1C880] =	vst v63  }
0x129: {  	s28 =	simm.s32 $0x3500  }
0x12a: {  	[tilespmem:s16], [sflag:$0x2] =	stream.indirect.gather.add.f32 [spmem:s2], $0x80, s28, s15, $0xb8;
	[tilespmem:$0x1C880] =	vst v63  }
0x12b: {  	s28 =	simm.s32 $0x3580  }
0x12c: {  	[tilespmem:s18], [sflag:$0x2] =	stream.indirect.gather.add.f32 [spmem:s2], $0x80, s28, s15, $0xb8;
	[tilespmem:$0x1C880] =	vst v63  }
0x12d: {  	_ = 	snop  }
0x12e: {  	[tilespmem:s16], [sflag:$0x2] =	stream.indirect.gather.add.f32 [spmem:s2], $0x80, s30, s15, $0xb8;
	[tilespmem:$0x1C880] =	vst v63  }
0x12f: {  	_ = 	snop  }
0x130: {  	[tilespmem:s18], [sflag:$0x2] =	stream.indirect.gather.add.f32 [spmem:s2], $0x80, s31, s15, $0xb8;
	[tilespmem:$0x1C880] =	vst v63  }
0x131: {  	_ = 	snop  }
0x132: {  	[tilespmem:s16], [sflag:$0x2] =	stream.indirect.gather.add.f32 [spmem:s2], $0x80, s1, s15, $0xb8;
	[tilespmem:$0x1C880] =	vst v63  }
0x133: {  	_ = 	snop  }
0x134: {  	[tilespmem:s18], [sflag:$0x2] =	stream.indirect.gather.add.f32 [spmem:s2], $0x80, s0, s15, $0xb8;
	[tilespmem:$0x1C880] =	vst v63  }
0x135: {  	_ = 	snop  }
0x136: {  	[tilespmem:s16], [sflag:$0x2] =	stream.indirect.gather.add.f32 [spmem:s2], $0x80, s17, s15, $0xb8;
	[tilespmem:$0x1C880] =	vst v63  }
0x137: {  	_ = 	snop  }
0x138: {  	[tilespmem:s18], [sflag:$0x2] =	stream.indirect.gather.add.f32 [spmem:s2], $0x80, s20, s15, $0xb8;
	[tilespmem:$0x1C880] =	vst v63  }
0x139: {  	_ = 	snop  }
0x13a: {  	[tilespmem:s16], [sflag:$0x2] =	stream.indirect.gather.add.f32 [spmem:s2], $0x80, s21, s15, $0xb8;
	[tilespmem:$0x1C880] =	vst v63  }
0x13b: {  	_ = 	snop  }
0x13c: {  	[tilespmem:s18], [sflag:$0x2] =	stream.indirect.gather.add.f32 [spmem:s2], $0x80, s22, s15, $0xb8;
	[tilespmem:$0x1C880] =	vst v63  }
0x13d: {  	_ = 	snop  }
0x13e: {  	[tilespmem:s16], [sflag:$0x2] =	stream.indirect.gather.add.f32 [spmem:s2], $0x80, s23, s15, $0xb8;
	[tilespmem:$0x1C880] =	vst v63  }
0x13f: {  	_ = 	snop  }
0x140: {  	[tilespmem:s18], [sflag:$0x2] =	stream.indirect.gather.add.f32 [spmem:s2], $0x80, s24, s15, $0xb8;
	[tilespmem:$0x1C880] =	vst v63  }
0x141: {  	_ =	swait.ge [sflag:s26], $0x2800  }
0x142: {  	[sflag:s26] =	ssyncset.done $0x0  }
0x143: {  	[sflag:s26] =	ssyncadd.s32 $0xFFFFD800  }
0x144: {  	_ =	swait.ge [sflag:s26], $0x2800  }
0x145: {  	s28 =	simm.s32 $0x1E;
	[sflag:s26] =	ssyncset.done $0x0  }
.LBB2_4:
0x146: {  	p2 =	sne.s32 s28, $0x1;
	s28 =	sadd.s32 $0xFFFFFFFF, s28;
	[sflag:s26] =	ssyncadd.s32 $0xFFFFD800  }
.Ltmp1:
0x147: {  	_ =	swait.ge [sflag:s26], $0x2800;
	(pc) =	sbr.rel @p2 .LBB2_4-.Ltmp1, $4  }
0x148: {  	[sflag:s26] =	ssyncset.done $0x0  }
0x149: {  	[sflag:s26] =	ssyncadd.s32 $0xFFFFD800  }
0x14a: {  	_ =	swait.ge [sflag:s26], $0x2800  }
0x14b: {  	[sflag:s26] =	ssyncset.done $0x0  }
0x14c: {  	[sflag:s26] =	ssyncadd.s32 $0xFFFFD800  }
0x14d: {  	s28 =	simm.s32 @!p1 $0x0;
	s29 =	simm.s32 @!p1 $0x4000;
	s25 =	sadd.s32 $0x1, s25  }
0x14e: {  	[hbm4b:s9+s28] =	stream.linear.scatter @!p1 [tilespmem:s29], [sflag:$0x3], $0x5000, $0x38;
	[tilespmem:$0x1C880] =	vst v63  }
0x14f: {  	p2 =	sne.s32 s25, s10  }
.Ltmp2:
0x150: {  	_ = 	snop;
	(pc) =	sbr.rel @p2 .LBB2_1-.Ltmp2, $4  }
0x151: {  	s28 =	simm.s32 @!p1 $0x3  }
0x152: {  	_ =	swait.ge @!p1 [sflag:s28], $0x5000  }
0x153: {  	[sflag:s28] =	ssyncset.done @!p1 $0x0  }
0x154: {  	[sflag:s28] =	ssyncadd.s32 @!p1 $0xFFFFB000  }
0x155: {  	_ =	sfence.sel $0x180000  }
0x156: {  	[bflag:$0x0] =	sbarrier.arrive $0xFFFF  }
0x157: {  	_ =	strace $0x90000047  }
0x158: {  	s0 =	stileid.u32;
	[bflag:$0x2] =	sbarrier.arrive $0xFFFF  }
0x159: {  	p0 =	sne.s32 s0, $0x0;
	s0 =	rddreg [dreg:$0x3]  }
0x15a: {  	s0 =	sadd.s32 @!p0 $0x100000, s0  }
0x15b: {  	[sflag:s0] =	ssyncadd.tile.s32 @!p0 $0x1;
	_ =	shalt  }
.Lfunc_end2:
_tile_overlayer_lowered:
.L_overlay_start_2:
0x15c: {  	(tag) =	ssettag $0x2  }
0x15d: {  	s0 =	rddreg [dreg:$0x0];
	s2 =	stileid.u32  }
0x15e: {  	s1 =	rddreg [dreg:$0x1];
	p0 =	sne.s32 s2, $0x0  }
0x15f: {  	s3 =	rddreg [dreg:$0x2];
	[bflag:$0x3] =	sbarrier.arrive $0xFFFF;
	s2 =	simm.s32 @!p0 $0x1C03  }
0x160: {  	[timem:s3], [sflag:s2] =	dma.local @!p0 [hbm:s0], s1  }
0x161: {  	s0 =	simm.s32 @!p0 $0x3  }
0x162: {  	_ =	swait.ge @!p0 [sflag:s0], s1  }
0x163: {  	s1 =	ssub.s32 @!p0 $0x0, s1;
	[sflag:s0] =	ssyncset.done @!p0 $0x0  }
0x164: {  	[sflag:s0] =	ssyncadd.s32 @!p0 s1  }
0x165: {  	[bflag:$0x3] =	sbarrier.arrive $0xFFFF  }
0x166: {  	_ =	shalt  }

</sc_bundles>
